<compile_context>
chip_gen: v7x
topology: tpu7x:2x2x1
jax: 0.10.2.dev20260603
libtpu: 0.0.44.dev20260713+nightly
codegen_flags: <defaults>
</compile_context>

<pallas_src>
import functools

import jax
import jax.numpy as jnp
from jax import lax
from jax.experimental import pallas as pl
from jax.experimental.pallas import tpu as pltpu
from jax.experimental.pallas import tpu_sc as plsc

N_NODES = 10000
N_EDGES = 320000
D_IN = 128
D_OUT = 128

NC = 2
NS = 16
NW = NC * NS
EW = N_EDGES // NW
CHUNK = 80
NCHUNK = EW // CHUNK
UNROLL = 2
KBLK = 5
DCHUNK = 80
NDCHUNK = EW // DCHUNK
STRIPE = 1000
DEG_W = 16

_mesh = lambda: plsc.VectorSubcoreMesh(core_axis_name="c", subcore_axis_name="s")


@functools.partial(
    pl.kernel,
    out_type=jax.ShapeDtypeStruct((NC, N_NODES, DEG_W), jnp.float32),
    mesh=_mesh(),
    scratch_types=[
        pltpu.VMEM((NDCHUNK, DCHUNK), jnp.int32),
        pltpu.VMEM((DCHUNK, DEG_W), jnp.float32),
        pltpu.VMEM_SHARED((N_NODES, DEG_W), jnp.float32),
    ],
)
def _deg_kernel(row2d_hbm, ones_hbm, zeros_hbm, out_hbm, rowbuf, ones_v, acc):
    cid = lax.axis_index("c")
    sid = lax.axis_index("s")
    wid = cid * NS + sid

    @pl.when(sid < N_NODES // STRIPE)
    def _():
        pltpu.sync_copy(zeros_hbm, acc.at[pl.ds(sid * STRIPE, STRIPE), :])
    pltpu.sync_copy(ones_hbm, ones_v)
    pltpu.sync_copy(row2d_hbm.at[wid], rowbuf)
    plsc.subcore_barrier()

    def body(c, _):
        pltpu.sync_copy(ones_v, acc.at[rowbuf.at[c]], add=True)
        return 0
    lax.fori_loop(0, NDCHUNK, body, 0)

    plsc.subcore_barrier()
    @pl.when(sid < N_NODES // STRIPE)
    def _():
        pltpu.sync_copy(acc.at[pl.ds(sid * STRIPE, STRIPE), :],
                        out_hbm.at[cid, pl.ds(sid * STRIPE, STRIPE), :])


@functools.partial(
    pl.kernel,
    out_type=jax.ShapeDtypeStruct((NC, N_NODES, D_OUT), jnp.float32),
    mesh=_mesh(),
    scratch_types=[
        pltpu.VMEM((NCHUNK, CHUNK), jnp.int32),
        pltpu.VMEM((EW,), jnp.int32),
        pltpu.VMEM((UNROLL, CHUNK, D_OUT), jnp.float32),
        pltpu.VMEM_SHARED((N_NODES, D_OUT), jnp.float32),
        pltpu.SemaphoreType.DMA((UNROLL,)),
    ],
)
def _scatter_kernel(m_hbm, row2d_hbm, col_hbm, zeros_hbm, out_hbm,
                    rowbuf, colbuf, gbuf, acc, sem):
    cid = lax.axis_index("c")
    sid = lax.axis_index("s")
    wid = cid * NS + sid
    base = wid * EW

    @pl.when(sid < N_NODES // STRIPE)
    def _():
        pltpu.sync_copy(zeros_hbm, acc.at[pl.ds(sid * STRIPE, STRIPE), :])
    pltpu.sync_copy(row2d_hbm.at[wid], rowbuf)
    pltpu.sync_copy(col_hbm.at[pl.ds(base, EW)], colbuf)
    plsc.subcore_barrier()

    def _gather(c, b):
        return pltpu.async_copy(
            m_hbm.at[colbuf.at[pl.ds(c * CHUNK, CHUNK)]], gbuf.at[b],
            sem.at[b])

    def body(i, _):
        c0 = i * KBLK
        d = _gather(c0, 0)
        for j in range(KBLK):
            d.wait()
            if j + 1 < KBLK:
                d = _gather(c0 + j + 1, (j + 1) % 2)
            pltpu.sync_copy(gbuf.at[j % 2], acc.at[rowbuf.at[c0 + j]], add=True)
        return 0
    lax.fori_loop(0, NCHUNK // KBLK, body, 0)

    plsc.subcore_barrier()
    @pl.when(sid < N_NODES // STRIPE)
    def _():
        pltpu.sync_copy(acc.at[pl.ds(sid * STRIPE, STRIPE), :],
                        out_hbm.at[cid, pl.ds(sid * STRIPE, STRIPE), :])


def _mm_body(x_ref, w_ref, deg_ref, o_ref):
    deg = deg_ref[0, :, 0] + deg_ref[1, :, 0]
    d = lax.rsqrt(deg + 1.0)
    y = jnp.dot(x_ref[...], w_ref[...], preferred_element_type=jnp.float32)
    o_ref[...] = y * d[:, None]


def _fin_body(am_ref, deg_ref, b_ref, o_ref):
    deg = deg_ref[0, :, 0] + deg_ref[1, :, 0]
    d = lax.rsqrt(deg + 1.0)
    s = am_ref[0] + am_ref[1]
    o_ref[...] = s * d[:, None] + b_ref[0, :]


@jax.jit
def kernel(X, edge_index, weights, bias):
    row = edge_index[0].astype(jnp.int32)
    col = edge_index[1].astype(jnp.int32)
    row2d = row.reshape(NW, NCHUNK, CHUNK)
    ones = jnp.ones((DCHUNK, DEG_W), jnp.float32)
    zeros = jnp.zeros((STRIPE, D_OUT), jnp.float32)
    zeros_deg = jnp.zeros((STRIPE, DEG_W), jnp.float32)

    deg2 = _deg_kernel(row2d, ones, zeros_deg)

    m = pl.pallas_call(
        _mm_body,
        out_shape=jax.ShapeDtypeStruct((N_NODES, D_OUT), jnp.float32),
    )(X, weights, deg2)

    am2 = _scatter_kernel(m, row2d, col, zeros)

    out = pl.pallas_call(
        _fin_body,
        out_shape=jax.ShapeDtypeStruct((N_NODES, D_OUT), jnp.float32),
    )(am2, deg2, bias.reshape(1, D_OUT))
    return out

# --- scband reference (transcript-rebuilt; emitter-appended) ---
"""Pipeline reference for scband-gcnconv-15899968930134 (READ-ONLY COPY).

The authoritative reference and input builder live on the scoring server;
editing this copy changes nothing except your own understanding.
"""

import jax, jax.numpy as jnp
import numpy as np

N_NODES = 10000
N_EDGES = 320000
D_IN = 128
D_OUT = 128


def setup_inputs(seed: int = 0) -> dict:
    key = jax.random.key(seed)
    k1, k2, k3, k4 = jax.random.split(key, 4)
    X = jax.random.normal(k1, (N_NODES, D_IN), dtype=jnp.float32)
    edge_index = jax.random.randint(k2, (2, N_EDGES), 0, N_NODES)
    weights = jax.random.normal(k3, (D_IN, D_OUT), dtype=jnp.float32)
    bias = jax.random.normal(k4, (D_OUT,), dtype=jnp.float32)
    return {"X": X, "edge_index": edge_index, "weights": weights, "bias": bias}


def reference(X, edge_index, weights, bias):
    # A is an unweighted sparse adjacency: A[row, col] = 1 for each edge.
    # Mirrors: D = (A.row_sum() + 1)**-0.5; Xprime = D[:,None] * (A @ (D[:,None] * (X @ W)))
    if X.ndim == 1:
        X = X[:, None]
    row = edge_index[0]
    col = edge_index[1]
    n = X.shape[0]
    # A.row_sum(): sum of values (all ones) per row
    row_sum = jax.ops.segment_sum(jnp.ones(row.shape[0], dtype=X.dtype), row, num_segments=n)
    D = (row_sum + 1.0) ** (-0.5)
    XTheta = X @ weights
    M = D[:, None] * XTheta
    # A @ M : gather M at col indices, scatter-add into row indices
    AM = jax.ops.segment_sum(M[col], row, num_segments=n)
    Xprime = D[:, None] * AM
    return Xprime + bias

if __name__ == "__main__":
    import jax
    _d = setup_inputs()
    print(jax.jit(kernel)(*tuple(_d.values())))

</pallas_src>

<mosaic_0001>
#map = affine_map<(d0, d1) -> (0, 0, 0)>
#map1 = affine_map<(d0, d1) -> (0, 0)>
module attributes {stable_mosaic.version = 14 : i64} {
  func.func @_deg_kernel(%arg0: i32, %arg1: i32, %arg2: memref<32x125x80xi32, #tpu.memory_space<hbm>>, %arg3: memref<80x16xf32, #tpu.memory_space<hbm>>, %arg4: memref<1000x16xf32, #tpu.memory_space<hbm>>, %arg5: memref<2x10000x16xf32, #tpu.memory_space<hbm>>, %arg6: memref<125x80xi32, #tpu.memory_space<vmem>>, %arg7: memref<80x16xf32, #tpu.memory_space<vmem>>, %arg8: memref<10000x16xf32, #tpu.memory_space<vmem_shared>>) attributes {dimension_semantics = [#tpu.dimension_semantics<core_parallel>, #tpu.dimension_semantics<subcore_parallel>], iteration_bounds = array<i64: 2, 16>, scalar_prefetch = 0 : i64, scratch_operands = 3 : i64, tpu.core_type = #tpu.core_type<sc_vector_subcore>, window_params = [{transform_indices = #map}, {transform_indices = #map1}, {transform_indices = #map1}, {transform_indices = #map}]} {
    %mul3A = arith.constant 16 : i32
    %mul3A_0 = arith.muli %arg0, %mul3A : i32
    %add3A = arith.addi %mul3A_0, %arg1 : i32
    %lt3A = arith.constant 10 : i32
    %lt3A_1 = arith.cmpi slt, %arg1, %lt3A : i32
    %convert_element_type3A = arith.extui %lt3A_1 : i1 to i32
    %cond3A = arith.constant 0 : i32
    %cond3A_2 = arith.cmpi ne, %convert_element_type3A, %cond3A : i32
    scf.if %cond3A_2 {
      %mul3A_15 = arith.constant 1000 : i32
      %mul3A_16 = arith.muli %arg1, %mul3A_15 : i32
      "tpu.region"() ({
        %run_scoped3A = tpu.sem_alloc : memref<!tpu.dma_semaphore, #tpu.memory_space<semaphore_mem>>
        %dma_start3A = arith.constant 0 : i32
        %dma_start3A_17 = tpu.memref_slice %arg8[%mul3A_16, %dma_start3A] : memref<10000x16xf32, #tpu.memory_space<vmem_shared>> -> memref<1000x16xf32, #tpu.memory_space<vmem_shared>>
        tpu.enqueue_dma source(%arg4 : memref<1000x16xf32, #tpu.memory_space<hbm>>) target(%dma_start3A_17 : memref<1000x16xf32, #tpu.memory_space<vmem_shared>>) target_semaphore(%run_scoped3A : memref<!tpu.dma_semaphore, #tpu.memory_space<semaphore_mem>>)
        %dma_wait3A = arith.constant 0 : i32
        %dma_wait3A_18 = tpu.memref_slice %arg8[%mul3A_16, %dma_wait3A] : memref<10000x16xf32, #tpu.memory_space<vmem_shared>> -> memref<1000x16xf32, #tpu.memory_space<vmem_shared>>
        tpu.wait_dma2 semaphore(%run_scoped3A : memref<!tpu.dma_semaphore, #tpu.memory_space<semaphore_mem>>) src(%arg4 : memref<1000x16xf32, #tpu.memory_space<hbm>>) dst(%dma_wait3A_18 : memref<1000x16xf32, #tpu.memory_space<vmem_shared>>)
        tpu.yield
      }) : () -> ()
    } else {
    }
    "tpu.region"() ({
      %run_scoped3A = tpu.sem_alloc : memref<!tpu.dma_semaphore, #tpu.memory_space<semaphore_mem>>
      tpu.enqueue_dma source(%arg3 : memref<80x16xf32, #tpu.memory_space<hbm>>) target(%arg7 : memref<80x16xf32, #tpu.memory_space<vmem>>) target_semaphore(%run_scoped3A : memref<!tpu.dma_semaphore, #tpu.memory_space<semaphore_mem>>)
      tpu.wait_dma2 semaphore(%run_scoped3A : memref<!tpu.dma_semaphore, #tpu.memory_space<semaphore_mem>>) src(%arg3 : memref<80x16xf32, #tpu.memory_space<hbm>>) dst(%arg7 : memref<80x16xf32, #tpu.memory_space<vmem>>)
      tpu.yield
    }) : () -> ()
    "tpu.region"() ({
      %run_scoped3A = tpu.sem_alloc : memref<!tpu.dma_semaphore, #tpu.memory_space<semaphore_mem>>
      %dma_start3A = arith.constant 0 : i32
      %dma_start3A_15 = arith.constant 0 : i32
      %dma_start3A_16 = tpu.memref_slice %arg2[%add3A, %dma_start3A, %dma_start3A_15] : memref<32x125x80xi32, #tpu.memory_space<hbm>> -> memref<1x125x80xi32, #tpu.memory_space<hbm>>
      %dma_start3A_17 = tpu.memref_squeeze %dma_start3A_16 : memref<1x125x80xi32, #tpu.memory_space<hbm>> -> memref<125x80xi32, #tpu.memory_space<hbm>>
      %dma_start3A_18 = arith.constant 0 : i32
      %dma_start3A_19 = arith.constant 0 : i32
      %dma_start3A_20 = tpu.memref_slice %arg2[%add3A, %dma_start3A_18, %dma_start3A_19] : memref<32x125x80xi32, #tpu.memory_space<hbm>> -> memref<1x125x80xi32, #tpu.memory_space<hbm>>
      %dma_start3A_21 = tpu.memref_squeeze %dma_start3A_20 : memref<1x125x80xi32, #tpu.memory_space<hbm>> -> memref<125x80xi32, #tpu.memory_space<hbm>>
      tpu.enqueue_dma source(%dma_start3A_21 : memref<125x80xi32, #tpu.memory_space<hbm>>) target(%arg6 : memref<125x80xi32, #tpu.memory_space<vmem>>) target_semaphore(%run_scoped3A : memref<!tpu.dma_semaphore, #tpu.memory_space<semaphore_mem>>)
      %dma_wait3A = arith.constant 0 : i32
      %dma_wait3A_22 = arith.constant 0 : i32
      %dma_wait3A_23 = tpu.memref_slice %arg2[%add3A, %dma_wait3A, %dma_wait3A_22] : memref<32x125x80xi32, #tpu.memory_space<hbm>> -> memref<1x125x80xi32, #tpu.memory_space<hbm>>
      %dma_wait3A_24 = tpu.memref_squeeze %dma_wait3A_23 : memref<1x125x80xi32, #tpu.memory_space<hbm>> -> memref<125x80xi32, #tpu.memory_space<hbm>>
      %dma_wait3A_25 = arith.constant 0 : i32
      %dma_wait3A_26 = arith.constant 0 : i32
      %dma_wait3A_27 = tpu.memref_slice %arg2[%add3A, %dma_wait3A_25, %dma_wait3A_26] : memref<32x125x80xi32, #tpu.memory_space<hbm>> -> memref<1x125x80xi32, #tpu.memory_space<hbm>>
      %dma_wait3A_28 = tpu.memref_squeeze %dma_wait3A_27 : memref<1x125x80xi32, #tpu.memory_space<hbm>> -> memref<125x80xi32, #tpu.memory_space<hbm>>
      tpu.wait_dma2 semaphore(%run_scoped3A : memref<!tpu.dma_semaphore, #tpu.memory_space<semaphore_mem>>) src(%dma_wait3A_28 : memref<125x80xi32, #tpu.memory_space<hbm>>) dst(%arg6 : memref<125x80xi32, #tpu.memory_space<vmem>>)
      tpu.yield
    }) : () -> ()
    %barrier3A = arith.constant 0 : index
    tpu.barrier barrier_id(%barrier3A)
    %scan3A = arith.constant 0 : i32
    %scan3A_3 = arith.constant 0 : i32
    %scan3A_4 = arith.constant 125 : i32
    %scan3A_5 = arith.addi %scan3A_3, %scan3A_4 : i32
    %scan3A_6 = arith.constant 1 : i32
    %scan3A_7 = scf.for %scan3A_15 = %scan3A_3 to %scan3A_5 step %scan3A_6 iter_args(%scan3A_16 = %scan3A) -> (i32)  : i32 {
      "tpu.region"() ({
        %run_scoped3A = tpu.sem_alloc : memref<!tpu.dma_semaphore, #tpu.memory_space<semaphore_mem>>
        %dma_start3A = arith.constant 0 : i32
        %dma_start3A_18 = tpu.memref_slice %arg6[%scan3A_15, %dma_start3A] : memref<125x80xi32, #tpu.memory_space<vmem>> -> memref<1x80xi32, #tpu.memory_space<vmem>>
        %dma_start3A_19 = tpu.memref_squeeze %dma_start3A_18 : memref<1x80xi32, #tpu.memory_space<vmem>> -> memref<80xi32, #tpu.memory_space<vmem>>
        %dma_start3A_20 = arith.constant 0 : i32
        %dma_start3A_21 = arith.constant 0 : i32
        %dma_start3A_22 = tpu.memref_slice %arg8[%dma_start3A_20, %dma_start3A_21] : memref<10000x16xf32, #tpu.memory_space<vmem_shared>> -> memref<10000x16xf32, #tpu.memory_space<vmem_shared>>
        tpu.enqueue_indirect_dma source(%arg7 : memref<80x16xf32, #tpu.memory_space<vmem>>) target(%dma_start3A_22 : memref<10000x16xf32, #tpu.memory_space<vmem_shared>>) offsets(%dma_start3A_19 : memref<80xi32, #tpu.memory_space<vmem>>) semaphore(%run_scoped3A : memref<!tpu.dma_semaphore, #tpu.memory_space<semaphore_mem>>) {add = true}
        %dma_wait3A = arith.constant 0 : i32
        %dma_wait3A_23 = tpu.memref_slice %arg6[%scan3A_15, %dma_wait3A] : memref<125x80xi32, #tpu.memory_space<vmem>> -> memref<1x80xi32, #tpu.memory_space<vmem>>
        %dma_wait3A_24 = tpu.memref_squeeze %dma_wait3A_23 : memref<1x80xi32, #tpu.memory_space<vmem>> -> memref<80xi32, #tpu.memory_space<vmem>>
        %dma_wait3A_25 = arith.constant 0 : i32
        %dma_wait3A_26 = arith.constant 0 : i32
        %dma_wait3A_27 = tpu.memref_slice %arg8[%dma_wait3A_25, %dma_wait3A_26] : memref<10000x16xf32, #tpu.memory_space<vmem_shared>> -> memref<10000x16xf32, #tpu.memory_space<vmem_shared>>
        tpu.wait_indirect_dma semaphore(%run_scoped3A : memref<!tpu.dma_semaphore, #tpu.memory_space<semaphore_mem>>) src(%arg7 : memref<80x16xf32, #tpu.memory_space<vmem>>) dst(%dma_wait3A_27 : memref<10000x16xf32, #tpu.memory_space<vmem_shared>>)
        tpu.yield
      }) : () -> ()
      %scan3A_17 = arith.constant 0 : i32
      scf.yield %scan3A_17 : i32
    }
    %scan3A_8 = arith.constant 125 : i32
    %barrier3A_9 = arith.constant 0 : index
    tpu.barrier barrier_id(%barrier3A_9)
    %lt3A_10 = arith.constant 10 : i32
    %lt3A_11 = arith.cmpi slt, %arg1, %lt3A_10 : i32
    %convert_element_type3A_12 = arith.extui %lt3A_11 : i1 to i32
    %cond3A_13 = arith.constant 0 : i32
    %cond3A_14 = arith.cmpi ne, %convert_element_type3A_12, %cond3A_13 : i32
    scf.if %cond3A_14 {
      %mul3A_15 = arith.constant 1000 : i32
      %mul3A_16 = arith.muli %arg1, %mul3A_15 : i32
      %mul3A_17 = arith.constant 1000 : i32
      %mul3A_18 = arith.muli %arg1, %mul3A_17 : i32
      "tpu.region"() ({
        %run_scoped3A = tpu.sem_alloc : memref<!tpu.dma_semaphore, #tpu.memory_space<semaphore_mem>>
        %dma_start3A = arith.constant 0 : i32
        %dma_start3A_19 = tpu.memref_slice %arg5[%arg0, %mul3A_18, %dma_start3A] : memref<2x10000x16xf32, #tpu.memory_space<hbm>> -> memref<1x1000x16xf32, #tpu.memory_space<hbm>>
        %dma_start3A_20 = tpu.memref_squeeze %dma_start3A_19 : memref<1x1000x16xf32, #tpu.memory_space<hbm>> -> memref<1000x16xf32, #tpu.memory_space<hbm>>
        %dma_start3A_21 = arith.constant 0 : i32
        %dma_start3A_22 = tpu.memref_slice %arg8[%mul3A_16, %dma_start3A_21] : memref<10000x16xf32, #tpu.memory_space<vmem_shared>> -> memref<1000x16xf32, #tpu.memory_space<vmem_shared>>
        tpu.enqueue_dma source(%dma_start3A_22 : memref<1000x16xf32, #tpu.memory_space<vmem_shared>>) target(%dma_start3A_20 : memref<1000x16xf32, #tpu.memory_space<hbm>>) target_semaphore(%run_scoped3A : memref<!tpu.dma_semaphore, #tpu.memory_space<semaphore_mem>>)
        %dma_wait3A = arith.constant 0 : i32
        %dma_wait3A_23 = tpu.memref_slice %arg5[%arg0, %mul3A_18, %dma_wait3A] : memref<2x10000x16xf32, #tpu.memory_space<hbm>> -> memref<1x1000x16xf32, #tpu.memory_space<hbm>>
        %dma_wait3A_24 = tpu.memref_squeeze %dma_wait3A_23 : memref<1x1000x16xf32, #tpu.memory_space<hbm>> -> memref<1000x16xf32, #tpu.memory_space<hbm>>
        %dma_wait3A_25 = arith.constant 0 : i32
        %dma_wait3A_26 = tpu.memref_slice %arg8[%mul3A_16, %dma_wait3A_25] : memref<10000x16xf32, #tpu.memory_space<vmem_shared>> -> memref<1000x16xf32, #tpu.memory_space<vmem_shared>>
        tpu.wait_dma2 semaphore(%run_scoped3A : memref<!tpu.dma_semaphore, #tpu.memory_space<semaphore_mem>>) src(%dma_wait3A_26 : memref<1000x16xf32, #tpu.memory_space<vmem_shared>>) dst(%dma_wait3A_24 : memref<1000x16xf32, #tpu.memory_space<hbm>>)
        tpu.yield
      }) : () -> ()
    } else {
    }
    return
  }
}

#map = affine_map<(d0, d1) -> (0, 0)>
#map1 = affine_map<(d0, d1) -> (0, 0, 0)>
#map2 = affine_map<(d0, d1) -> (0)>
module attributes {stable_mosaic.version = 14 : i64} {
  func.func @_scatter_kernel(%arg0: i32, %arg1: i32, %arg2: memref<10000x128xf32, #tpu.memory_space<hbm>>, %arg3: memref<32x125x80xi32, #tpu.memory_space<hbm>>, %arg4: memref<320000xi32, #tpu.memory_space<hbm>>, %arg5: memref<1000x128xf32, #tpu.memory_space<hbm>>, %arg6: memref<2x10000x128xf32, #tpu.memory_space<hbm>>, %arg7: memref<125x80xi32, #tpu.memory_space<vmem>>, %arg8: memref<10000xi32, #tpu.memory_space<vmem>>, %arg9: memref<2x80x128xf32, #tpu.memory_space<vmem>>, %arg10: memref<10000x128xf32, #tpu.memory_space<vmem_shared>>, %arg11: memref<2x!tpu.dma_semaphore, #tpu.memory_space<semaphore_mem>>) attributes {dimension_semantics = [#tpu.dimension_semantics<core_parallel>, #tpu.dimension_semantics<subcore_parallel>], iteration_bounds = array<i64: 2, 16>, scalar_prefetch = 0 : i64, scratch_operands = 5 : i64, tpu.core_type = #tpu.core_type<sc_vector_subcore>, window_params = [{transform_indices = #map}, {transform_indices = #map1}, {transform_indices = #map2}, {transform_indices = #map}, {transform_indices = #map1}]} {
    %mul3A = arith.constant 16 : i32
    %mul3A_0 = arith.muli %arg0, %mul3A : i32
    %add3A = arith.addi %mul3A_0, %arg1 : i32
    %mul3A_1 = arith.constant 10000 : i32
    %mul3A_2 = arith.muli %add3A, %mul3A_1 : i32
    %lt3A = arith.constant 10 : i32
    %lt3A_3 = arith.cmpi slt, %arg1, %lt3A : i32
    %convert_element_type3A = arith.extui %lt3A_3 : i1 to i32
    %cond3A = arith.constant 0 : i32
    %cond3A_4 = arith.cmpi ne, %convert_element_type3A, %cond3A : i32
    scf.if %cond3A_4 {
      %mul3A_17 = arith.constant 1000 : i32
      %mul3A_18 = arith.muli %arg1, %mul3A_17 : i32
      "tpu.region"() ({
        %run_scoped3A = tpu.sem_alloc : memref<!tpu.dma_semaphore, #tpu.memory_space<semaphore_mem>>
        %dma_start3A = arith.constant 0 : i32
        %dma_start3A_19 = tpu.memref_slice %arg10[%mul3A_18, %dma_start3A] : memref<10000x128xf32, #tpu.memory_space<vmem_shared>> -> memref<1000x128xf32, #tpu.memory_space<vmem_shared>>
        tpu.enqueue_dma source(%arg5 : memref<1000x128xf32, #tpu.memory_space<hbm>>) target(%dma_start3A_19 : memref<1000x128xf32, #tpu.memory_space<vmem_shared>>) target_semaphore(%run_scoped3A : memref<!tpu.dma_semaphore, #tpu.memory_space<semaphore_mem>>)
        %dma_wait3A = arith.constant 0 : i32
        %dma_wait3A_20 = tpu.memref_slice %arg10[%mul3A_18, %dma_wait3A] : memref<10000x128xf32, #tpu.memory_space<vmem_shared>> -> memref<1000x128xf32, #tpu.memory_space<vmem_shared>>
        tpu.wait_dma2 semaphore(%run_scoped3A : memref<!tpu.dma_semaphore, #tpu.memory_space<semaphore_mem>>) src(%arg5 : memref<1000x128xf32, #tpu.memory_space<hbm>>) dst(%dma_wait3A_20 : memref<1000x128xf32, #tpu.memory_space<vmem_shared>>)
        tpu.yield
      }) : () -> ()
    } else {
    }
    "tpu.region"() ({
      %run_scoped3A = tpu.sem_alloc : memref<!tpu.dma_semaphore, #tpu.memory_space<semaphore_mem>>
      %dma_start3A = arith.constant 0 : i32
      %dma_start3A_17 = arith.constant 0 : i32
      %dma_start3A_18 = tpu.memref_slice %arg3[%add3A, %dma_start3A, %dma_start3A_17] : memref<32x125x80xi32, #tpu.memory_space<hbm>> -> memref<1x125x80xi32, #tpu.memory_space<hbm>>
      %dma_start3A_19 = tpu.memref_squeeze %dma_start3A_18 : memref<1x125x80xi32, #tpu.memory_space<hbm>> -> memref<125x80xi32, #tpu.memory_space<hbm>>
      %dma_start3A_20 = arith.constant 0 : i32
      %dma_start3A_21 = arith.constant 0 : i32
      %dma_start3A_22 = tpu.memref_slice %arg3[%add3A, %dma_start3A_20, %dma_start3A_21] : memref<32x125x80xi32, #tpu.memory_space<hbm>> -> memref<1x125x80xi32, #tpu.memory_space<hbm>>
      %dma_start3A_23 = tpu.memref_squeeze %dma_start3A_22 : memref<1x125x80xi32, #tpu.memory_space<hbm>> -> memref<125x80xi32, #tpu.memory_space<hbm>>
      tpu.enqueue_dma source(%dma_start3A_23 : memref<125x80xi32, #tpu.memory_space<hbm>>) target(%arg7 : memref<125x80xi32, #tpu.memory_space<vmem>>) target_semaphore(%run_scoped3A : memref<!tpu.dma_semaphore, #tpu.memory_space<semaphore_mem>>)
      %dma_wait3A = arith.constant 0 : i32
      %dma_wait3A_24 = arith.constant 0 : i32
      %dma_wait3A_25 = tpu.memref_slice %arg3[%add3A, %dma_wait3A, %dma_wait3A_24] : memref<32x125x80xi32, #tpu.memory_space<hbm>> -> memref<1x125x80xi32, #tpu.memory_space<hbm>>
      %dma_wait3A_26 = tpu.memref_squeeze %dma_wait3A_25 : memref<1x125x80xi32, #tpu.memory_space<hbm>> -> memref<125x80xi32, #tpu.memory_space<hbm>>
      %dma_wait3A_27 = arith.constant 0 : i32
      %dma_wait3A_28 = arith.constant 0 : i32
      %dma_wait3A_29 = tpu.memref_slice %arg3[%add3A, %dma_wait3A_27, %dma_wait3A_28] : memref<32x125x80xi32, #tpu.memory_space<hbm>> -> memref<1x125x80xi32, #tpu.memory_space<hbm>>
      %dma_wait3A_30 = tpu.memref_squeeze %dma_wait3A_29 : memref<1x125x80xi32, #tpu.memory_space<hbm>> -> memref<125x80xi32, #tpu.memory_space<hbm>>
      tpu.wait_dma2 semaphore(%run_scoped3A : memref<!tpu.dma_semaphore, #tpu.memory_space<semaphore_mem>>) src(%dma_wait3A_30 : memref<125x80xi32, #tpu.memory_space<hbm>>) dst(%arg7 : memref<125x80xi32, #tpu.memory_space<vmem>>)
      tpu.yield
    }) : () -> ()
    "tpu.region"() ({
      %run_scoped3A = tpu.sem_alloc : memref<!tpu.dma_semaphore, #tpu.memory_space<semaphore_mem>>
      %dma_start3A = tpu.memref_slice %arg4[%mul3A_2] : memref<320000xi32, #tpu.memory_space<hbm>> -> memref<10000xi32, #tpu.memory_space<hbm>>
      %dma_start3A_17 = tpu.memref_slice %arg4[%mul3A_2] : memref<320000xi32, #tpu.memory_space<hbm>> -> memref<10000xi32, #tpu.memory_space<hbm>>
      tpu.enqueue_dma source(%dma_start3A_17 : memref<10000xi32, #tpu.memory_space<hbm>>) target(%arg8 : memref<10000xi32, #tpu.memory_space<vmem>>) target_semaphore(%run_scoped3A : memref<!tpu.dma_semaphore, #tpu.memory_space<semaphore_mem>>)
      %dma_wait3A = tpu.memref_slice %arg4[%mul3A_2] : memref<320000xi32, #tpu.memory_space<hbm>> -> memref<10000xi32, #tpu.memory_space<hbm>>
      %dma_wait3A_18 = tpu.memref_slice %arg4[%mul3A_2] : memref<320000xi32, #tpu.memory_space<hbm>> -> memref<10000xi32, #tpu.memory_space<hbm>>
      tpu.wait_dma2 semaphore(%run_scoped3A : memref<!tpu.dma_semaphore, #tpu.memory_space<semaphore_mem>>) src(%dma_wait3A_18 : memref<10000xi32, #tpu.memory_space<hbm>>) dst(%arg8 : memref<10000xi32, #tpu.memory_space<vmem>>)
      tpu.yield
    }) : () -> ()
    %barrier3A = arith.constant 0 : index
    tpu.barrier barrier_id(%barrier3A)
    %scan3A = arith.constant 0 : i32
    %scan3A_5 = arith.constant 0 : i32
    %scan3A_6 = arith.constant 25 : i32
    %scan3A_7 = arith.addi %scan3A_5, %scan3A_6 : i32
    %scan3A_8 = arith.constant 1 : i32
    %scan3A_9 = scf.for %scan3A_17 = %scan3A_5 to %scan3A_7 step %scan3A_8 iter_args(%scan3A_18 = %scan3A) -> (i32)  : i32 {
      %mul3A_19 = arith.constant 5 : i32
      %mul3A_20 = arith.muli %scan3A_17, %mul3A_19 : i32
      %mul3A_21 = arith.constant 80 : i32
      %mul3A_22 = arith.muli %mul3A_20, %mul3A_21 : i32
      %dma_start3A = arith.constant 0 : i32
      %dma_start3A_23 = arith.constant 0 : i32
      %dma_start3A_24 = arith.constant 0 : i32
      %dma_start3A_25 = arith.constant 0 : i32
      %dma_start3A_26 = tpu.memref_slice %arg9[%dma_start3A, %dma_start3A_24, %dma_start3A_25] : memref<2x80x128xf32, #tpu.memory_space<vmem>> -> memref<1x80x128xf32, #tpu.memory_space<vmem>>
      %dma_start3A_27 = tpu.memref_squeeze %dma_start3A_26 : memref<1x80x128xf32, #tpu.memory_space<vmem>> -> memref<80x128xf32, #tpu.memory_space<vmem>>
      %dma_start3A_28 = tpu.memref_slice %arg8[%mul3A_22] : memref<10000xi32, #tpu.memory_space<vmem>> -> memref<80xi32, #tpu.memory_space<vmem>>
      %dma_start3A_29 = arith.constant 0 : i32
      %dma_start3A_30 = arith.constant 0 : i32
      %dma_start3A_31 = tpu.memref_slice %arg2[%dma_start3A_29, %dma_start3A_30] : memref<10000x128xf32, #tpu.memory_space<hbm>> -> memref<10000x128xf32, #tpu.memory_space<hbm>>
      %dma_start3A_32 = tpu.memref_slice %arg11[%dma_start3A_23] : memref<2x!tpu.dma_semaphore, #tpu.memory_space<semaphore_mem>> -> memref<1x!tpu.dma_semaphore, #tpu.memory_space<semaphore_mem>>
      %dma_start3A_33 = tpu.memref_squeeze %dma_start3A_32 : memref<1x!tpu.dma_semaphore, #tpu.memory_space<semaphore_mem>> -> memref<!tpu.dma_semaphore, #tpu.memory_space<semaphore_mem>>
      tpu.enqueue_indirect_dma source(%dma_start3A_31 : memref<10000x128xf32, #tpu.memory_space<hbm>>) target(%dma_start3A_27 : memref<80x128xf32, #tpu.memory_space<vmem>>) offsets(%dma_start3A_28 : memref<80xi32, #tpu.memory_space<vmem>>) semaphore(%dma_start3A_33 : memref<!tpu.dma_semaphore, #tpu.memory_space<semaphore_mem>>)
      %dma_wait3A = arith.constant 0 : i32
      %dma_wait3A_34 = arith.constant 0 : i32
      %dma_wait3A_35 = arith.constant 0 : i32
      %dma_wait3A_36 = arith.constant 0 : i32
      %dma_wait3A_37 = tpu.memref_slice %arg9[%dma_wait3A, %dma_wait3A_35, %dma_wait3A_36] : memref<2x80x128xf32, #tpu.memory_space<vmem>> -> memref<1x80x128xf32, #tpu.memory_space<vmem>>
      %dma_wait3A_38 = tpu.memref_squeeze %dma_wait3A_37 : memref<1x80x128xf32, #tpu.memory_space<vmem>> -> memref<80x128xf32, #tpu.memory_space<vmem>>
      %dma_wait3A_39 = tpu.memref_slice %arg8[%mul3A_22] : memref<10000xi32, #tpu.memory_space<vmem>> -> memref<80xi32, #tpu.memory_space<vmem>>
      %dma_wait3A_40 = arith.constant 0 : i32
      %dma_wait3A_41 = arith.constant 0 : i32
      %dma_wait3A_42 = tpu.memref_slice %arg2[%dma_wait3A_40, %dma_wait3A_41] : memref<10000x128xf32, #tpu.memory_space<hbm>> -> memref<10000x128xf32, #tpu.memory_space<hbm>>
      %dma_wait3A_43 = tpu.memref_slice %arg11[%dma_wait3A_34] : memref<2x!tpu.dma_semaphore, #tpu.memory_space<semaphore_mem>> -> memref<1x!tpu.dma_semaphore, #tpu.memory_space<semaphore_mem>>
      %dma_wait3A_44 = tpu.memref_squeeze %dma_wait3A_43 : memref<1x!tpu.dma_semaphore, #tpu.memory_space<semaphore_mem>> -> memref<!tpu.dma_semaphore, #tpu.memory_space<semaphore_mem>>
      tpu.wait_indirect_dma semaphore(%dma_wait3A_44 : memref<!tpu.dma_semaphore, #tpu.memory_space<semaphore_mem>>) src(%dma_wait3A_42 : memref<10000x128xf32, #tpu.memory_space<hbm>>) dst(%dma_wait3A_38 : memref<80x128xf32, #tpu.memory_space<vmem>>)
      %add3A_45 = arith.constant 0 : i32
      %add3A_46 = arith.addi %mul3A_20, %add3A_45 : i32
      %add3A_47 = arith.constant 1 : i32
      %add3A_48 = arith.addi %add3A_46, %add3A_47 : i32
      %mul3A_49 = arith.constant 80 : i32
      %mul3A_50 = arith.muli %add3A_48, %mul3A_49 : i32
      %dma_start3A_51 = arith.constant 1 : i32
      %dma_start3A_52 = arith.constant 1 : i32
      %dma_start3A_53 = arith.constant 0 : i32
      %dma_start3A_54 = arith.constant 0 : i32
      %dma_start3A_55 = tpu.memref_slice %arg9[%dma_start3A_51, %dma_start3A_53, %dma_start3A_54] : memref<2x80x128xf32, #tpu.memory_space<vmem>> -> memref<1x80x128xf32, #tpu.memory_space<vmem>>
      %dma_start3A_56 = tpu.memref_squeeze %dma_start3A_55 : memref<1x80x128xf32, #tpu.memory_space<vmem>> -> memref<80x128xf32, #tpu.memory_space<vmem>>
      %dma_start3A_57 = tpu.memref_slice %arg8[%mul3A_50] : memref<10000xi32, #tpu.memory_space<vmem>> -> memref<80xi32, #tpu.memory_space<vmem>>
      %dma_start3A_58 = arith.constant 0 : i32
      %dma_start3A_59 = arith.constant 0 : i32
      %dma_start3A_60 = tpu.memref_slice %arg2[%dma_start3A_58, %dma_start3A_59] : memref<10000x128xf32, #tpu.memory_space<hbm>> -> memref<10000x128xf32, #tpu.memory_space<hbm>>
      %dma_start3A_61 = tpu.memref_slice %arg11[%dma_start3A_52] : memref<2x!tpu.dma_semaphore, #tpu.memory_space<semaphore_mem>> -> memref<1x!tpu.dma_semaphore, #tpu.memory_space<semaphore_mem>>
      %dma_start3A_62 = tpu.memref_squeeze %dma_start3A_61 : memref<1x!tpu.dma_semaphore, #tpu.memory_space<semaphore_mem>> -> memref<!tpu.dma_semaphore, #tpu.memory_space<semaphore_mem>>
      tpu.enqueue_indirect_dma source(%dma_start3A_60 : memref<10000x128xf32, #tpu.memory_space<hbm>>) target(%dma_start3A_56 : memref<80x128xf32, #tpu.memory_space<vmem>>) offsets(%dma_start3A_57 : memref<80xi32, #tpu.memory_space<vmem>>) semaphore(%dma_start3A_62 : memref<!tpu.dma_semaphore, #tpu.memory_space<semaphore_mem>>)
      %add3A_63 = arith.constant 0 : i32
      %add3A_64 = arith.addi %mul3A_20, %add3A_63 : i32
      %run_scoped3A = arith.constant 0 : i32
      "tpu.region"() ({
        %run_scoped3A_180 = tpu.sem_alloc : memref<!tpu.dma_semaphore, #tpu.memory_space<semaphore_mem>>
        %dma_start3A_181 = arith.constant 0 : i32
        %dma_start3A_182 = arith.constant 0 : i32
        %dma_start3A_183 = tpu.memref_slice %arg9[%run_scoped3A, %dma_start3A_181, %dma_start3A_182] : memref<2x80x128xf32, #tpu.memory_space<vmem>> -> memref<1x80x128xf32, #tpu.memory_space<vmem>>
        %dma_start3A_184 = tpu.memref_squeeze %dma_start3A_183 : memref<1x80x128xf32, #tpu.memory_space<vmem>> -> memref<80x128xf32, #tpu.memory_space<vmem>>
        %dma_start3A_185 = arith.constant 0 : i32
        %dma_start3A_186 = tpu.memref_slice %arg7[%add3A_64, %dma_start3A_185] : memref<125x80xi32, #tpu.memory_space<vmem>> -> memref<1x80xi32, #tpu.memory_space<vmem>>
        %dma_start3A_187 = tpu.memref_squeeze %dma_start3A_186 : memref<1x80xi32, #tpu.memory_space<vmem>> -> memref<80xi32, #tpu.memory_space<vmem>>
        %dma_start3A_188 = arith.constant 0 : i32
        %dma_start3A_189 = arith.constant 0 : i32
        %dma_start3A_190 = tpu.memref_slice %arg10[%dma_start3A_188, %dma_start3A_189] : memref<10000x128xf32, #tpu.memory_space<vmem_shared>> -> memref<10000x128xf32, #tpu.memory_space<vmem_shared>>
        tpu.enqueue_indirect_dma source(%dma_start3A_184 : memref<80x128xf32, #tpu.memory_space<vmem>>) target(%dma_start3A_190 : memref<10000x128xf32, #tpu.memory_space<vmem_shared>>) offsets(%dma_start3A_187 : memref<80xi32, #tpu.memory_space<vmem>>) semaphore(%run_scoped3A_180 : memref<!tpu.dma_semaphore, #tpu.memory_space<semaphore_mem>>) {add = true}
        %dma_wait3A_191 = arith.constant 0 : i32
        %dma_wait3A_192 = arith.constant 0 : i32
        %dma_wait3A_193 = tpu.memref_slice %arg9[%run_scoped3A, %dma_wait3A_191, %dma_wait3A_192] : memref<2x80x128xf32, #tpu.memory_space<vmem>> -> memref<1x80x128xf32, #tpu.memory_space<vmem>>
        %dma_wait3A_194 = tpu.memref_squeeze %dma_wait3A_193 : memref<1x80x128xf32, #tpu.memory_space<vmem>> -> memref<80x128xf32, #tpu.memory_space<vmem>>
        %dma_wait3A_195 = arith.constant 0 : i32
        %dma_wait3A_196 = tpu.memref_slice %arg7[%add3A_64, %dma_wait3A_195] : memref<125x80xi32, #tpu.memory_space<vmem>> -> memref<1x80xi32, #tpu.memory_space<vmem>>
        %dma_wait3A_197 = tpu.memref_squeeze %dma_wait3A_196 : memref<1x80xi32, #tpu.memory_space<vmem>> -> memref<80xi32, #tpu.memory_space<vmem>>
        %dma_wait3A_198 = arith.constant 0 : i32
        %dma_wait3A_199 = arith.constant 0 : i32
        %dma_wait3A_200 = tpu.memref_slice %arg10[%dma_wait3A_198, %dma_wait3A_199] : memref<10000x128xf32, #tpu.memory_space<vmem_shared>> -> memref<10000x128xf32, #tpu.memory_space<vmem_shared>>
        tpu.wait_indirect_dma semaphore(%run_scoped3A_180 : memref<!tpu.dma_semaphore, #tpu.memory_space<semaphore_mem>>) src(%dma_wait3A_194 : memref<80x128xf32, #tpu.memory_space<vmem>>) dst(%dma_wait3A_200 : memref<10000x128xf32, #tpu.memory_space<vmem_shared>>)
        tpu.yield
      }) : () -> ()
      %dma_wait3A_65 = arith.constant 1 : i32
      %dma_wait3A_66 = arith.constant 1 : i32
      %dma_wait3A_67 = arith.constant 0 : i32
      %dma_wait3A_68 = arith.constant 0 : i32
      %dma_wait3A_69 = tpu.memref_slice %arg9[%dma_wait3A_65, %dma_wait3A_67, %dma_wait3A_68] : memref<2x80x128xf32, #tpu.memory_space<vmem>> -> memref<1x80x128xf32, #tpu.memory_space<vmem>>
      %dma_wait3A_70 = tpu.memref_squeeze %dma_wait3A_69 : memref<1x80x128xf32, #tpu.memory_space<vmem>> -> memref<80x128xf32, #tpu.memory_space<vmem>>
      %dma_wait3A_71 = tpu.memref_slice %arg8[%mul3A_50] : memref<10000xi32, #tpu.memory_space<vmem>> -> memref<80xi32, #tpu.memory_space<vmem>>
      %dma_wait3A_72 = arith.constant 0 : i32
      %dma_wait3A_73 = arith.constant 0 : i32
      %dma_wait3A_74 = tpu.memref_slice %arg2[%dma_wait3A_72, %dma_wait3A_73] : memref<10000x128xf32, #tpu.memory_space<hbm>> -> memref<10000x128xf32, #tpu.memory_space<hbm>>
      %dma_wait3A_75 = tpu.memref_slice %arg11[%dma_wait3A_66] : memref<2x!tpu.dma_semaphore, #tpu.memory_space<semaphore_mem>> -> memref<1x!tpu.dma_semaphore, #tpu.memory_space<semaphore_mem>>
      %dma_wait3A_76 = tpu.memref_squeeze %dma_wait3A_75 : memref<1x!tpu.dma_semaphore, #tpu.memory_space<semaphore_mem>> -> memref<!tpu.dma_semaphore, #tpu.memory_space<semaphore_mem>>
      tpu.wait_indirect_dma semaphore(%dma_wait3A_76 : memref<!tpu.dma_semaphore, #tpu.memory_space<semaphore_mem>>) src(%dma_wait3A_74 : memref<10000x128xf32, #tpu.memory_space<hbm>>) dst(%dma_wait3A_70 : memref<80x128xf32, #tpu.memory_space<vmem>>)
      %add3A_77 = arith.constant 1 : i32
      %add3A_78 = arith.addi %mul3A_20, %add3A_77 : i32
      %add3A_79 = arith.constant 1 : i32
      %add3A_80 = arith.addi %add3A_78, %add3A_79 : i32
      %mul3A_81 = arith.constant 80 : i32
      %mul3A_82 = arith.muli %add3A_80, %mul3A_81 : i32
      %dma_start3A_83 = arith.constant 0 : i32
      %dma_start3A_84 = arith.constant 0 : i32
      %dma_start3A_85 = arith.constant 0 : i32
      %dma_start3A_86 = arith.constant 0 : i32
      %dma_start3A_87 = tpu.memref_slice %arg9[%dma_start3A_83, %dma_start3A_85, %dma_start3A_86] : memref<2x80x128xf32, #tpu.memory_space<vmem>> -> memref<1x80x128xf32, #tpu.memory_space<vmem>>
      %dma_start3A_88 = tpu.memref_squeeze %dma_start3A_87 : memref<1x80x128xf32, #tpu.memory_space<vmem>> -> memref<80x128xf32, #tpu.memory_space<vmem>>
      %dma_start3A_89 = tpu.memref_slice %arg8[%mul3A_82] : memref<10000xi32, #tpu.memory_space<vmem>> -> memref<80xi32, #tpu.memory_space<vmem>>
      %dma_start3A_90 = arith.constant 0 : i32
      %dma_start3A_91 = arith.constant 0 : i32
      %dma_start3A_92 = tpu.memref_slice %arg2[%dma_start3A_90, %dma_start3A_91] : memref<10000x128xf32, #tpu.memory_space<hbm>> -> memref<10000x128xf32, #tpu.memory_space<hbm>>
      %dma_start3A_93 = tpu.memref_slice %arg11[%dma_start3A_84] : memref<2x!tpu.dma_semaphore, #tpu.memory_space<semaphore_mem>> -> memref<1x!tpu.dma_semaphore, #tpu.memory_space<semaphore_mem>>
      %dma_start3A_94 = tpu.memref_squeeze %dma_start3A_93 : memref<1x!tpu.dma_semaphore, #tpu.memory_space<semaphore_mem>> -> memref<!tpu.dma_semaphore, #tpu.memory_space<semaphore_mem>>
      tpu.enqueue_indirect_dma source(%dma_start3A_92 : memref<10000x128xf32, #tpu.memory_space<hbm>>) target(%dma_start3A_88 : memref<80x128xf32, #tpu.memory_space<vmem>>) offsets(%dma_start3A_89 : memref<80xi32, #tpu.memory_space<vmem>>) semaphore(%dma_start3A_94 : memref<!tpu.dma_semaphore, #tpu.memory_space<semaphore_mem>>)
      %add3A_95 = arith.constant 1 : i32
      %add3A_96 = arith.addi %mul3A_20, %add3A_95 : i32
      %run_scoped3A_97 = arith.constant 1 : i32
      "tpu.region"() ({
        %run_scoped3A_180 = tpu.sem_alloc : memref<!tpu.dma_semaphore, #tpu.memory_space<semaphore_mem>>
        %dma_start3A_181 = arith.constant 0 : i32
        %dma_start3A_182 = arith.constant 0 : i32
        %dma_start3A_183 = tpu.memref_slice %arg9[%run_scoped3A_97, %dma_start3A_181, %dma_start3A_182] : memref<2x80x128xf32, #tpu.memory_space<vmem>> -> memref<1x80x128xf32, #tpu.memory_space<vmem>>
        %dma_start3A_184 = tpu.memref_squeeze %dma_start3A_183 : memref<1x80x128xf32, #tpu.memory_space<vmem>> -> memref<80x128xf32, #tpu.memory_space<vmem>>
        %dma_start3A_185 = arith.constant 0 : i32
        %dma_start3A_186 = tpu.memref_slice %arg7[%add3A_96, %dma_start3A_185] : memref<125x80xi32, #tpu.memory_space<vmem>> -> memref<1x80xi32, #tpu.memory_space<vmem>>
        %dma_start3A_187 = tpu.memref_squeeze %dma_start3A_186 : memref<1x80xi32, #tpu.memory_space<vmem>> -> memref<80xi32, #tpu.memory_space<vmem>>
        %dma_start3A_188 = arith.constant 0 : i32
        %dma_start3A_189 = arith.constant 0 : i32
        %dma_start3A_190 = tpu.memref_slice %arg10[%dma_start3A_188, %dma_start3A_189] : memref<10000x128xf32, #tpu.memory_space<vmem_shared>> -> memref<10000x128xf32, #tpu.memory_space<vmem_shared>>
        tpu.enqueue_indirect_dma source(%dma_start3A_184 : memref<80x128xf32, #tpu.memory_space<vmem>>) target(%dma_start3A_190 : memref<10000x128xf32, #tpu.memory_space<vmem_shared>>) offsets(%dma_start3A_187 : memref<80xi32, #tpu.memory_space<vmem>>) semaphore(%run_scoped3A_180 : memref<!tpu.dma_semaphore, #tpu.memory_space<semaphore_mem>>) {add = true}
        %dma_wait3A_191 = arith.constant 0 : i32
        %dma_wait3A_192 = arith.constant 0 : i32
        %dma_wait3A_193 = tpu.memref_slice %arg9[%run_scoped3A_97, %dma_wait3A_191, %dma_wait3A_192] : memref<2x80x128xf32, #tpu.memory_space<vmem>> -> memref<1x80x128xf32, #tpu.memory_space<vmem>>
        %dma_wait3A_194 = tpu.memref_squeeze %dma_wait3A_193 : memref<1x80x128xf32, #tpu.memory_space<vmem>> -> memref<80x128xf32, #tpu.memory_space<vmem>>
        %dma_wait3A_195 = arith.constant 0 : i32
        %dma_wait3A_196 = tpu.memref_slice %arg7[%add3A_96, %dma_wait3A_195] : memref<125x80xi32, #tpu.memory_space<vmem>> -> memref<1x80xi32, #tpu.memory_space<vmem>>
        %dma_wait3A_197 = tpu.memref_squeeze %dma_wait3A_196 : memref<1x80xi32, #tpu.memory_space<vmem>> -> memref<80xi32, #tpu.memory_space<vmem>>
        %dma_wait3A_198 = arith.constant 0 : i32
        %dma_wait3A_199 = arith.constant 0 : i32
        %dma_wait3A_200 = tpu.memref_slice %arg10[%dma_wait3A_198, %dma_wait3A_199] : memref<10000x128xf32, #tpu.memory_space<vmem_shared>> -> memref<10000x128xf32, #tpu.memory_space<vmem_shared>>
        tpu.wait_indirect_dma semaphore(%run_scoped3A_180 : memref<!tpu.dma_semaphore, #tpu.memory_space<semaphore_mem>>) src(%dma_wait3A_194 : memref<80x128xf32, #tpu.memory_space<vmem>>) dst(%dma_wait3A_200 : memref<10000x128xf32, #tpu.memory_space<vmem_shared>>)
        tpu.yield
      }) : () -> ()
      %dma_wait3A_98 = arith.constant 0 : i32
      %dma_wait3A_99 = arith.constant 0 : i32
      %dma_wait3A_100 = arith.constant 0 : i32
      %dma_wait3A_101 = arith.constant 0 : i32
      %dma_wait3A_102 = tpu.memref_slice %arg9[%dma_wait3A_98, %dma_wait3A_100, %dma_wait3A_101] : memref<2x80x128xf32, #tpu.memory_space<vmem>> -> memref<1x80x128xf32, #tpu.memory_space<vmem>>
      %dma_wait3A_103 = tpu.memref_squeeze %dma_wait3A_102 : memref<1x80x128xf32, #tpu.memory_space<vmem>> -> memref<80x128xf32, #tpu.memory_space<vmem>>
      %dma_wait3A_104 = tpu.memref_slice %arg8[%mul3A_82] : memref<10000xi32, #tpu.memory_space<vmem>> -> memref<80xi32, #tpu.memory_space<vmem>>
      %dma_wait3A_105 = arith.constant 0 : i32
      %dma_wait3A_106 = arith.constant 0 : i32
      %dma_wait3A_107 = tpu.memref_slice %arg2[%dma_wait3A_105, %dma_wait3A_106] : memref<10000x128xf32, #tpu.memory_space<hbm>> -> memref<10000x128xf32, #tpu.memory_space<hbm>>
      %dma_wait3A_108 = tpu.memref_slice %arg11[%dma_wait3A_99] : memref<2x!tpu.dma_semaphore, #tpu.memory_space<semaphore_mem>> -> memref<1x!tpu.dma_semaphore, #tpu.memory_space<semaphore_mem>>
      %dma_wait3A_109 = tpu.memref_squeeze %dma_wait3A_108 : memref<1x!tpu.dma_semaphore, #tpu.memory_space<semaphore_mem>> -> memref<!tpu.dma_semaphore, #tpu.memory_space<semaphore_mem>>
      tpu.wait_indirect_dma semaphore(%dma_wait3A_109 : memref<!tpu.dma_semaphore, #tpu.memory_space<semaphore_mem>>) src(%dma_wait3A_107 : memref<10000x128xf32, #tpu.memory_space<hbm>>) dst(%dma_wait3A_103 : memref<80x128xf32, #tpu.memory_space<vmem>>)
      %add3A_110 = arith.constant 2 : i32
      %add3A_111 = arith.addi %mul3A_20, %add3A_110 : i32
      %add3A_112 = arith.constant 1 : i32
      %add3A_113 = arith.addi %add3A_111, %add3A_112 : i32
      %mul3A_114 = arith.constant 80 : i32
      %mul3A_115 = arith.muli %add3A_113, %mul3A_114 : i32
      %dma_start3A_116 = arith.constant 1 : i32
      %dma_start3A_117 = arith.constant 1 : i32
      %dma_start3A_118 = arith.constant 0 : i32
      %dma_start3A_119 = arith.constant 0 : i32
      %dma_start3A_120 = tpu.memref_slice %arg9[%dma_start3A_116, %dma_start3A_118, %dma_start3A_119] : memref<2x80x128xf32, #tpu.memory_space<vmem>> -> memref<1x80x128xf32, #tpu.memory_space<vmem>>
      %dma_start3A_121 = tpu.memref_squeeze %dma_start3A_120 : memref<1x80x128xf32, #tpu.memory_space<vmem>> -> memref<80x128xf32, #tpu.memory_space<vmem>>
      %dma_start3A_122 = tpu.memref_slice %arg8[%mul3A_115] : memref<10000xi32, #tpu.memory_space<vmem>> -> memref<80xi32, #tpu.memory_space<vmem>>
      %dma_start3A_123 = arith.constant 0 : i32
      %dma_start3A_124 = arith.constant 0 : i32
      %dma_start3A_125 = tpu.memref_slice %arg2[%dma_start3A_123, %dma_start3A_124] : memref<10000x128xf32, #tpu.memory_space<hbm>> -> memref<10000x128xf32, #tpu.memory_space<hbm>>
      %dma_start3A_126 = tpu.memref_slice %arg11[%dma_start3A_117] : memref<2x!tpu.dma_semaphore, #tpu.memory_space<semaphore_mem>> -> memref<1x!tpu.dma_semaphore, #tpu.memory_space<semaphore_mem>>
      %dma_start3A_127 = tpu.memref_squeeze %dma_start3A_126 : memref<1x!tpu.dma_semaphore, #tpu.memory_space<semaphore_mem>> -> memref<!tpu.dma_semaphore, #tpu.memory_space<semaphore_mem>>
      tpu.enqueue_indirect_dma source(%dma_start3A_125 : memref<10000x128xf32, #tpu.memory_space<hbm>>) target(%dma_start3A_121 : memref<80x128xf32, #tpu.memory_space<vmem>>) offsets(%dma_start3A_122 : memref<80xi32, #tpu.memory_space<vmem>>) semaphore(%dma_start3A_127 : memref<!tpu.dma_semaphore, #tpu.memory_space<semaphore_mem>>)
      %add3A_128 = arith.constant 2 : i32
      %add3A_129 = arith.addi %mul3A_20, %add3A_128 : i32
      %run_scoped3A_130 = arith.constant 0 : i32
      "tpu.region"() ({
        %run_scoped3A_180 = tpu.sem_alloc : memref<!tpu.dma_semaphore, #tpu.memory_space<semaphore_mem>>
        %dma_start3A_181 = arith.constant 0 : i32
        %dma_start3A_182 = arith.constant 0 : i32
        %dma_start3A_183 = tpu.memref_slice %arg9[%run_scoped3A_130, %dma_start3A_181, %dma_start3A_182] : memref<2x80x128xf32, #tpu.memory_space<vmem>> -> memref<1x80x128xf32, #tpu.memory_space<vmem>>
        %dma_start3A_184 = tpu.memref_squeeze %dma_start3A_183 : memref<1x80x128xf32, #tpu.memory_space<vmem>> -> memref<80x128xf32, #tpu.memory_space<vmem>>
        %dma_start3A_185 = arith.constant 0 : i32
        %dma_start3A_186 = tpu.memref_slice %arg7[%add3A_129, %dma_start3A_185] : memref<125x80xi32, #tpu.memory_space<vmem>> -> memref<1x80xi32, #tpu.memory_space<vmem>>
        %dma_start3A_187 = tpu.memref_squeeze %dma_start3A_186 : memref<1x80xi32, #tpu.memory_space<vmem>> -> memref<80xi32, #tpu.memory_space<vmem>>
        %dma_start3A_188 = arith.constant 0 : i32
        %dma_start3A_189 = arith.constant 0 : i32
        %dma_start3A_190 = tpu.memref_slice %arg10[%dma_start3A_188, %dma_start3A_189] : memref<10000x128xf32, #tpu.memory_space<vmem_shared>> -> memref<10000x128xf32, #tpu.memory_space<vmem_shared>>
        tpu.enqueue_indirect_dma source(%dma_start3A_184 : memref<80x128xf32, #tpu.memory_space<vmem>>) target(%dma_start3A_190 : memref<10000x128xf32, #tpu.memory_space<vmem_shared>>) offsets(%dma_start3A_187 : memref<80xi32, #tpu.memory_space<vmem>>) semaphore(%run_scoped3A_180 : memref<!tpu.dma_semaphore, #tpu.memory_space<semaphore_mem>>) {add = true}
        %dma_wait3A_191 = arith.constant 0 : i32
        %dma_wait3A_192 = arith.constant 0 : i32
        %dma_wait3A_193 = tpu.memref_slice %arg9[%run_scoped3A_130, %dma_wait3A_191, %dma_wait3A_192] : memref<2x80x128xf32, #tpu.memory_space<vmem>> -> memref<1x80x128xf32, #tpu.memory_space<vmem>>
        %dma_wait3A_194 = tpu.memref_squeeze %dma_wait3A_193 : memref<1x80x128xf32, #tpu.memory_space<vmem>> -> memref<80x128xf32, #tpu.memory_space<vmem>>
        %dma_wait3A_195 = arith.constant 0 : i32
        %dma_wait3A_196 = tpu.memref_slice %arg7[%add3A_129, %dma_wait3A_195] : memref<125x80xi32, #tpu.memory_space<vmem>> -> memref<1x80xi32, #tpu.memory_space<vmem>>
        %dma_wait3A_197 = tpu.memref_squeeze %dma_wait3A_196 : memref<1x80xi32, #tpu.memory_space<vmem>> -> memref<80xi32, #tpu.memory_space<vmem>>
        %dma_wait3A_198 = arith.constant 0 : i32
        %dma_wait3A_199 = arith.constant 0 : i32
        %dma_wait3A_200 = tpu.memref_slice %arg10[%dma_wait3A_198, %dma_wait3A_199] : memref<10000x128xf32, #tpu.memory_space<vmem_shared>> -> memref<10000x128xf32, #tpu.memory_space<vmem_shared>>
        tpu.wait_indirect_dma semaphore(%run_scoped3A_180 : memref<!tpu.dma_semaphore, #tpu.memory_space<semaphore_mem>>) src(%dma_wait3A_194 : memref<80x128xf32, #tpu.memory_space<vmem>>) dst(%dma_wait3A_200 : memref<10000x128xf32, #tpu.memory_space<vmem_shared>>)
        tpu.yield
      }) : () -> ()
      %dma_wait3A_131 = arith.constant 1 : i32
      %dma_wait3A_132 = arith.constant 1 : i32
      %dma_wait3A_133 = arith.constant 0 : i32
      %dma_wait3A_134 = arith.constant 0 : i32
      %dma_wait3A_135 = tpu.memref_slice %arg9[%dma_wait3A_131, %dma_wait3A_133, %dma_wait3A_134] : memref<2x80x128xf32, #tpu.memory_space<vmem>> -> memref<1x80x128xf32, #tpu.memory_space<vmem>>
      %dma_wait3A_136 = tpu.memref_squeeze %dma_wait3A_135 : memref<1x80x128xf32, #tpu.memory_space<vmem>> -> memref<80x128xf32, #tpu.memory_space<vmem>>
      %dma_wait3A_137 = tpu.memref_slice %arg8[%mul3A_115] : memref<10000xi32, #tpu.memory_space<vmem>> -> memref<80xi32, #tpu.memory_space<vmem>>
      %dma_wait3A_138 = arith.constant 0 : i32
      %dma_wait3A_139 = arith.constant 0 : i32
      %dma_wait3A_140 = tpu.memref_slice %arg2[%dma_wait3A_138, %dma_wait3A_139] : memref<10000x128xf32, #tpu.memory_space<hbm>> -> memref<10000x128xf32, #tpu.memory_space<hbm>>
      %dma_wait3A_141 = tpu.memref_slice %arg11[%dma_wait3A_132] : memref<2x!tpu.dma_semaphore, #tpu.memory_space<semaphore_mem>> -> memref<1x!tpu.dma_semaphore, #tpu.memory_space<semaphore_mem>>
      %dma_wait3A_142 = tpu.memref_squeeze %dma_wait3A_141 : memref<1x!tpu.dma_semaphore, #tpu.memory_space<semaphore_mem>> -> memref<!tpu.dma_semaphore, #tpu.memory_space<semaphore_mem>>
      tpu.wait_indirect_dma semaphore(%dma_wait3A_142 : memref<!tpu.dma_semaphore, #tpu.memory_space<semaphore_mem>>) src(%dma_wait3A_140 : memref<10000x128xf32, #tpu.memory_space<hbm>>) dst(%dma_wait3A_136 : memref<80x128xf32, #tpu.memory_space<vmem>>)
      %add3A_143 = arith.constant 3 : i32
      %add3A_144 = arith.addi %mul3A_20, %add3A_143 : i32
      %add3A_145 = arith.constant 1 : i32
      %add3A_146 = arith.addi %add3A_144, %add3A_145 : i32
      %mul3A_147 = arith.constant 80 : i32
      %mul3A_148 = arith.muli %add3A_146, %mul3A_147 : i32
      %dma_start3A_149 = arith.constant 0 : i32
      %dma_start3A_150 = arith.constant 0 : i32
      %dma_start3A_151 = arith.constant 0 : i32
      %dma_start3A_152 = arith.constant 0 : i32
      %dma_start3A_153 = tpu.memref_slice %arg9[%dma_start3A_149, %dma_start3A_151, %dma_start3A_152] : memref<2x80x128xf32, #tpu.memory_space<vmem>> -> memref<1x80x128xf32, #tpu.memory_space<vmem>>
      %dma_start3A_154 = tpu.memref_squeeze %dma_start3A_153 : memref<1x80x128xf32, #tpu.memory_space<vmem>> -> memref<80x128xf32, #tpu.memory_space<vmem>>
      %dma_start3A_155 = tpu.memref_slice %arg8[%mul3A_148] : memref<10000xi32, #tpu.memory_space<vmem>> -> memref<80xi32, #tpu.memory_space<vmem>>
      %dma_start3A_156 = arith.constant 0 : i32
      %dma_start3A_157 = arith.constant 0 : i32
      %dma_start3A_158 = tpu.memref_slice %arg2[%dma_start3A_156, %dma_start3A_157] : memref<10000x128xf32, #tpu.memory_space<hbm>> -> memref<10000x128xf32, #tpu.memory_space<hbm>>
      %dma_start3A_159 = tpu.memref_slice %arg11[%dma_start3A_150] : memref<2x!tpu.dma_semaphore, #tpu.memory_space<semaphore_mem>> -> memref<1x!tpu.dma_semaphore, #tpu.memory_space<semaphore_mem>>
      %dma_start3A_160 = tpu.memref_squeeze %dma_start3A_159 : memref<1x!tpu.dma_semaphore, #tpu.memory_space<semaphore_mem>> -> memref<!tpu.dma_semaphore, #tpu.memory_space<semaphore_mem>>
      tpu.enqueue_indirect_dma source(%dma_start3A_158 : memref<10000x128xf32, #tpu.memory_space<hbm>>) target(%dma_start3A_154 : memref<80x128xf32, #tpu.memory_space<vmem>>) offsets(%dma_start3A_155 : memref<80xi32, #tpu.memory_space<vmem>>) semaphore(%dma_start3A_160 : memref<!tpu.dma_semaphore, #tpu.memory_space<semaphore_mem>>)
      %add3A_161 = arith.constant 3 : i32
      %add3A_162 = arith.addi %mul3A_20, %add3A_161 : i32
      %run_scoped3A_163 = arith.constant 1 : i32
      "tpu.region"() ({
        %run_scoped3A_180 = tpu.sem_alloc : memref<!tpu.dma_semaphore, #tpu.memory_space<semaphore_mem>>
        %dma_start3A_181 = arith.constant 0 : i32
        %dma_start3A_182 = arith.constant 0 : i32
        %dma_start3A_183 = tpu.memref_slice %arg9[%run_scoped3A_163, %dma_start3A_181, %dma_start3A_182] : memref<2x80x128xf32, #tpu.memory_space<vmem>> -> memref<1x80x128xf32, #tpu.memory_space<vmem>>
        %dma_start3A_184 = tpu.memref_squeeze %dma_start3A_183 : memref<1x80x128xf32, #tpu.memory_space<vmem>> -> memref<80x128xf32, #tpu.memory_space<vmem>>
        %dma_start3A_185 = arith.constant 0 : i32
        %dma_start3A_186 = tpu.memref_slice %arg7[%add3A_162, %dma_start3A_185] : memref<125x80xi32, #tpu.memory_space<vmem>> -> memref<1x80xi32, #tpu.memory_space<vmem>>
        %dma_start3A_187 = tpu.memref_squeeze %dma_start3A_186 : memref<1x80xi32, #tpu.memory_space<vmem>> -> memref<80xi32, #tpu.memory_space<vmem>>
        %dma_start3A_188 = arith.constant 0 : i32
        %dma_start3A_189 = arith.constant 0 : i32
        %dma_start3A_190 = tpu.memref_slice %arg10[%dma_start3A_188, %dma_start3A_189] : memref<10000x128xf32, #tpu.memory_space<vmem_shared>> -> memref<10000x128xf32, #tpu.memory_space<vmem_shared>>
        tpu.enqueue_indirect_dma source(%dma_start3A_184 : memref<80x128xf32, #tpu.memory_space<vmem>>) target(%dma_start3A_190 : memref<10000x128xf32, #tpu.memory_space<vmem_shared>>) offsets(%dma_start3A_187 : memref<80xi32, #tpu.memory_space<vmem>>) semaphore(%run_scoped3A_180 : memref<!tpu.dma_semaphore, #tpu.memory_space<semaphore_mem>>) {add = true}
        %dma_wait3A_191 = arith.constant 0 : i32
        %dma_wait3A_192 = arith.constant 0 : i32
        %dma_wait3A_193 = tpu.memref_slice %arg9[%run_scoped3A_163, %dma_wait3A_191, %dma_wait3A_192] : memref<2x80x128xf32, #tpu.memory_space<vmem>> -> memref<1x80x128xf32, #tpu.memory_space<vmem>>
        %dma_wait3A_194 = tpu.memref_squeeze %dma_wait3A_193 : memref<1x80x128xf32, #tpu.memory_space<vmem>> -> memref<80x128xf32, #tpu.memory_space<vmem>>
        %dma_wait3A_195 = arith.constant 0 : i32
        %dma_wait3A_196 = tpu.memref_slice %arg7[%add3A_162, %dma_wait3A_195] : memref<125x80xi32, #tpu.memory_space<vmem>> -> memref<1x80xi32, #tpu.memory_space<vmem>>
        %dma_wait3A_197 = tpu.memref_squeeze %dma_wait3A_196 : memref<1x80xi32, #tpu.memory_space<vmem>> -> memref<80xi32, #tpu.memory_space<vmem>>
        %dma_wait3A_198 = arith.constant 0 : i32
        %dma_wait3A_199 = arith.constant 0 : i32
        %dma_wait3A_200 = tpu.memref_slice %arg10[%dma_wait3A_198, %dma_wait3A_199] : memref<10000x128xf32, #tpu.memory_space<vmem_shared>> -> memref<10000x128xf32, #tpu.memory_space<vmem_shared>>
        tpu.wait_indirect_dma semaphore(%run_scoped3A_180 : memref<!tpu.dma_semaphore, #tpu.memory_space<semaphore_mem>>) src(%dma_wait3A_194 : memref<80x128xf32, #tpu.memory_space<vmem>>) dst(%dma_wait3A_200 : memref<10000x128xf32, #tpu.memory_space<vmem_shared>>)
        tpu.yield
      }) : () -> ()
      %dma_wait3A_164 = arith.constant 0 : i32
      %dma_wait3A_165 = arith.constant 0 : i32
      %dma_wait3A_166 = arith.constant 0 : i32
      %dma_wait3A_167 = arith.constant 0 : i32
      %dma_wait3A_168 = tpu.memref_slice %arg9[%dma_wait3A_164, %dma_wait3A_166, %dma_wait3A_167] : memref<2x80x128xf32, #tpu.memory_space<vmem>> -> memref<1x80x128xf32, #tpu.memory_space<vmem>>
      %dma_wait3A_169 = tpu.memref_squeeze %dma_wait3A_168 : memref<1x80x128xf32, #tpu.memory_space<vmem>> -> memref<80x128xf32, #tpu.memory_space<vmem>>
      %dma_wait3A_170 = tpu.memref_slice %arg8[%mul3A_148] : memref<10000xi32, #tpu.memory_space<vmem>> -> memref<80xi32, #tpu.memory_space<vmem>>
      %dma_wait3A_171 = arith.constant 0 : i32
      %dma_wait3A_172 = arith.constant 0 : i32
      %dma_wait3A_173 = tpu.memref_slice %arg2[%dma_wait3A_171, %dma_wait3A_172] : memref<10000x128xf32, #tpu.memory_space<hbm>> -> memref<10000x128xf32, #tpu.memory_space<hbm>>
      %dma_wait3A_174 = tpu.memref_slice %arg11[%dma_wait3A_165] : memref<2x!tpu.dma_semaphore, #tpu.memory_space<semaphore_mem>> -> memref<1x!tpu.dma_semaphore, #tpu.memory_space<semaphore_mem>>
      %dma_wait3A_175 = tpu.memref_squeeze %dma_wait3A_174 : memref<1x!tpu.dma_semaphore, #tpu.memory_space<semaphore_mem>> -> memref<!tpu.dma_semaphore, #tpu.memory_space<semaphore_mem>>
      tpu.wait_indirect_dma semaphore(%dma_wait3A_175 : memref<!tpu.dma_semaphore, #tpu.memory_space<semaphore_mem>>) src(%dma_wait3A_173 : memref<10000x128xf32, #tpu.memory_space<hbm>>) dst(%dma_wait3A_169 : memref<80x128xf32, #tpu.memory_space<vmem>>)
      %add3A_176 = arith.constant 4 : i32
      %add3A_177 = arith.addi %mul3A_20, %add3A_176 : i32
      %run_scoped3A_178 = arith.constant 0 : i32
      "tpu.region"() ({
        %run_scoped3A_180 = tpu.sem_alloc : memref<!tpu.dma_semaphore, #tpu.memory_space<semaphore_mem>>
        %dma_start3A_181 = arith.constant 0 : i32
        %dma_start3A_182 = arith.constant 0 : i32
        %dma_start3A_183 = tpu.memref_slice %arg9[%run_scoped3A_178, %dma_start3A_181, %dma_start3A_182] : memref<2x80x128xf32, #tpu.memory_space<vmem>> -> memref<1x80x128xf32, #tpu.memory_space<vmem>>
        %dma_start3A_184 = tpu.memref_squeeze %dma_start3A_183 : memref<1x80x128xf32, #tpu.memory_space<vmem>> -> memref<80x128xf32, #tpu.memory_space<vmem>>
        %dma_start3A_185 = arith.constant 0 : i32
        %dma_start3A_186 = tpu.memref_slice %arg7[%add3A_177, %dma_start3A_185] : memref<125x80xi32, #tpu.memory_space<vmem>> -> memref<1x80xi32, #tpu.memory_space<vmem>>
        %dma_start3A_187 = tpu.memref_squeeze %dma_start3A_186 : memref<1x80xi32, #tpu.memory_space<vmem>> -> memref<80xi32, #tpu.memory_space<vmem>>
        %dma_start3A_188 = arith.constant 0 : i32
        %dma_start3A_189 = arith.constant 0 : i32
        %dma_start3A_190 = tpu.memref_slice %arg10[%dma_start3A_188, %dma_start3A_189] : memref<10000x128xf32, #tpu.memory_space<vmem_shared>> -> memref<10000x128xf32, #tpu.memory_space<vmem_shared>>
        tpu.enqueue_indirect_dma source(%dma_start3A_184 : memref<80x128xf32, #tpu.memory_space<vmem>>) target(%dma_start3A_190 : memref<10000x128xf32, #tpu.memory_space<vmem_shared>>) offsets(%dma_start3A_187 : memref<80xi32, #tpu.memory_space<vmem>>) semaphore(%run_scoped3A_180 : memref<!tpu.dma_semaphore, #tpu.memory_space<semaphore_mem>>) {add = true}
        %dma_wait3A_191 = arith.constant 0 : i32
        %dma_wait3A_192 = arith.constant 0 : i32
        %dma_wait3A_193 = tpu.memref_slice %arg9[%run_scoped3A_178, %dma_wait3A_191, %dma_wait3A_192] : memref<2x80x128xf32, #tpu.memory_space<vmem>> -> memref<1x80x128xf32, #tpu.memory_space<vmem>>
        %dma_wait3A_194 = tpu.memref_squeeze %dma_wait3A_193 : memref<1x80x128xf32, #tpu.memory_space<vmem>> -> memref<80x128xf32, #tpu.memory_space<vmem>>
        %dma_wait3A_195 = arith.constant 0 : i32
        %dma_wait3A_196 = tpu.memref_slice %arg7[%add3A_177, %dma_wait3A_195] : memref<125x80xi32, #tpu.memory_space<vmem>> -> memref<1x80xi32, #tpu.memory_space<vmem>>
        %dma_wait3A_197 = tpu.memref_squeeze %dma_wait3A_196 : memref<1x80xi32, #tpu.memory_space<vmem>> -> memref<80xi32, #tpu.memory_space<vmem>>
        %dma_wait3A_198 = arith.constant 0 : i32
        %dma_wait3A_199 = arith.constant 0 : i32
        %dma_wait3A_200 = tpu.memref_slice %arg10[%dma_wait3A_198, %dma_wait3A_199] : memref<10000x128xf32, #tpu.memory_space<vmem_shared>> -> memref<10000x128xf32, #tpu.memory_space<vmem_shared>>
        tpu.wait_indirect_dma semaphore(%run_scoped3A_180 : memref<!tpu.dma_semaphore, #tpu.memory_space<semaphore_mem>>) src(%dma_wait3A_194 : memref<80x128xf32, #tpu.memory_space<vmem>>) dst(%dma_wait3A_200 : memref<10000x128xf32, #tpu.memory_space<vmem_shared>>)
        tpu.yield
      }) : () -> ()
      %scan3A_179 = arith.constant 0 : i32
      scf.yield %scan3A_179 : i32
    }
    %scan3A_10 = arith.constant 25 : i32
    %barrier3A_11 = arith.constant 0 : index
    tpu.barrier barrier_id(%barrier3A_11)
    %lt3A_12 = arith.constant 10 : i32
    %lt3A_13 = arith.cmpi slt, %arg1, %lt3A_12 : i32
    %convert_element_type3A_14 = arith.extui %lt3A_13 : i1 to i32
    %cond3A_15 = arith.constant 0 : i32
    %cond3A_16 = arith.cmpi ne, %convert_element_type3A_14, %cond3A_15 : i32
    scf.if %cond3A_16 {
      %mul3A_17 = arith.constant 1000 : i32
      %mul3A_18 = arith.muli %arg1, %mul3A_17 : i32
      %mul3A_19 = arith.constant 1000 : i32
      %mul3A_20 = arith.muli %arg1, %mul3A_19 : i32
      "tpu.region"() ({
        %run_scoped3A = tpu.sem_alloc : memref<!tpu.dma_semaphore, #tpu.memory_space<semaphore_mem>>
        %dma_start3A = arith.constant 0 : i32
        %dma_start3A_21 = tpu.memref_slice %arg6[%arg0, %mul3A_20, %dma_start3A] : memref<2x10000x128xf32, #tpu.memory_space<hbm>> -> memref<1x1000x128xf32, #tpu.memory_space<hbm>>
        %dma_start3A_22 = tpu.memref_squeeze %dma_start3A_21 : memref<1x1000x128xf32, #tpu.memory_space<hbm>> -> memref<1000x128xf32, #tpu.memory_space<hbm>>
        %dma_start3A_23 = arith.constant 0 : i32
        %dma_start3A_24 = tpu.memref_slice %arg10[%mul3A_18, %dma_start3A_23] : memref<10000x128xf32, #tpu.memory_space<vmem_shared>> -> memref<1000x128xf32, #tpu.memory_space<vmem_shared>>
        tpu.enqueue_dma source(%dma_start3A_24 : memref<1000x128xf32, #tpu.memory_space<vmem_shared>>) target(%dma_start3A_22 : memref<1000x128xf32, #tpu.memory_space<hbm>>) target_semaphore(%run_scoped3A : memref<!tpu.dma_semaphore, #tpu.memory_space<semaphore_mem>>)
        %dma_wait3A = arith.constant 0 : i32
        %dma_wait3A_25 = tpu.memref_slice %arg6[%arg0, %mul3A_20, %dma_wait3A] : memref<2x10000x128xf32, #tpu.memory_space<hbm>> -> memref<1x1000x128xf32, #tpu.memory_space<hbm>>
        %dma_wait3A_26 = tpu.memref_squeeze %dma_wait3A_25 : memref<1x1000x128xf32, #tpu.memory_space<hbm>> -> memref<1000x128xf32, #tpu.memory_space<hbm>>
        %dma_wait3A_27 = arith.constant 0 : i32
        %dma_wait3A_28 = tpu.memref_slice %arg10[%mul3A_18, %dma_wait3A_27] : memref<10000x128xf32, #tpu.memory_space<vmem_shared>> -> memref<1000x128xf32, #tpu.memory_space<vmem_shared>>
        tpu.wait_dma2 semaphore(%run_scoped3A : memref<!tpu.dma_semaphore, #tpu.memory_space<semaphore_mem>>) src(%dma_wait3A_28 : memref<1000x128xf32, #tpu.memory_space<vmem_shared>>) dst(%dma_wait3A_26 : memref<1000x128xf32, #tpu.memory_space<hbm>>)
        tpu.yield
      }) : () -> ()
    } else {
    }
    return
  }
}

module attributes {stable_mosaic.version = 14 : i64} {
  func.func @_mm_body(%arg0: memref<10000x128xf32, #tpu.memory_space<vmem>>, %arg1: memref<128x128xf32, #tpu.memory_space<vmem>>, %arg2: memref<2x10000x16xf32, #tpu.memory_space<vmem>>, %arg3: memref<10000x128xf32, #tpu.memory_space<vmem>>) attributes {dimension_semantics = [], scalar_prefetch = 0 : i64, scratch_operands = 0 : i64, tpu.core_type = #tpu.core_type<tc>} {
    %get3A = arith.constant 0 : index
    %get3A_0 = arith.constant 0 : index
    %get3A_1 = arith.constant 0 : index
    %get3A_2 = vector.load %arg2[%get3A, %get3A_0, %get3A_1] : memref<2x10000x16xf32, #tpu.memory_space<vmem>>, vector<1x10000x1xf32>
    %get3A_3 = vector.shape_cast %get3A_2 : vector<1x10000x1xf32> to vector<10000xf32>
    %get3A_4 = arith.constant 1 : index
    %get3A_5 = arith.constant 0 : index
    %get3A_6 = arith.constant 0 : index
    %get3A_7 = vector.load %arg2[%get3A_4, %get3A_5, %get3A_6] : memref<2x10000x16xf32, #tpu.memory_space<vmem>>, vector<1x10000x1xf32>
    %get3A_8 = vector.shape_cast %get3A_7 : vector<1x10000x1xf32> to vector<10000xf32>
    %add3A = arith.addf %get3A_3, %get3A_8 : vector<10000xf32>
    %add3A_9 = arith.constant 1.000000e+00 : f32
    %add3A_10 = vector.broadcast %add3A_9 : f32 to vector<10000xf32>
    %add3A_11 = arith.addf %add3A, %add3A_10 : vector<10000xf32>
    %rsqrt3A = math.rsqrt %add3A_11 : vector<10000xf32>
    %get3A_12 = arith.constant 0 : index
    %get3A_13 = arith.constant 0 : index
    %get3A_14 = vector.load %arg0[%get3A_12, %get3A_13] : memref<10000x128xf32, #tpu.memory_space<vmem>>, vector<10000x128xf32>
    %get3A_15 = arith.constant 0 : index
    %get3A_16 = arith.constant 0 : index
    %get3A_17 = vector.load %arg1[%get3A_15, %get3A_16] : memref<128x128xf32, #tpu.memory_space<vmem>>, vector<128x128xf32>
    %dot_general3A = arith.constant dense<0.000000e+00> : vector<10000x128xf32>
    %dot_general3A_18 = tpu.matmul %get3A_14, %get3A_17, %dot_general3A {dimension_numbers = #tpu.dot_dimension_numbers<[1], [0], [0], [1], [0, 0, 1, 1], [], []>, transpose_lhs_hint = false} : vector<10000x128xf32>, vector<128x128xf32>, vector<10000x128xf32> -> vector<10000x128xf32>
    %broadcast_in_dim3A = vector.shape_cast %rsqrt3A : vector<10000xf32> to vector<10000x1xf32>
    %mul3A = vector.broadcast %broadcast_in_dim3A : vector<10000x1xf32> to vector<10000x128xf32>
    %mul3A_19 = arith.mulf %dot_general3A_18, %mul3A : vector<10000x128xf32>
    %swap3A = arith.constant 0 : index
    %swap3A_20 = arith.constant 0 : index
    %swap3A_21 = vector.load %arg3[%swap3A, %swap3A_20] : memref<10000x128xf32, #tpu.memory_space<vmem>>, vector<10000x128xf32>
    tpu.vector_store %arg3[%swap3A, %swap3A_20], %mul3A_19 {strides = array<i32>} : memref<10000x128xf32, #tpu.memory_space<vmem>>, vector<10000x128xf32>,
    return
  }
}

module attributes {stable_mosaic.version = 14 : i64} {
  func.func @_fin_body(%arg0: memref<2x10000x128xf32, #tpu.memory_space<vmem>>, %arg1: memref<2x10000x16xf32, #tpu.memory_space<vmem>>, %arg2: memref<1x128xf32, #tpu.memory_space<vmem>>, %arg3: memref<10000x128xf32, #tpu.memory_space<vmem>>) attributes {dimension_semantics = [], scalar_prefetch = 0 : i64, scratch_operands = 0 : i64, tpu.core_type = #tpu.core_type<tc>} {
    %get3A = arith.constant 0 : index
    %get3A_0 = arith.constant 0 : index
    %get3A_1 = arith.constant 0 : index
    %get3A_2 = vector.load %arg1[%get3A, %get3A_0, %get3A_1] : memref<2x10000x16xf32, #tpu.memory_space<vmem>>, vector<1x10000x1xf32>
    %get3A_3 = vector.shape_cast %get3A_2 : vector<1x10000x1xf32> to vector<10000xf32>
    %get3A_4 = arith.constant 1 : index
    %get3A_5 = arith.constant 0 : index
    %get3A_6 = arith.constant 0 : index
    %get3A_7 = vector.load %arg1[%get3A_4, %get3A_5, %get3A_6] : memref<2x10000x16xf32, #tpu.memory_space<vmem>>, vector<1x10000x1xf32>
    %get3A_8 = vector.shape_cast %get3A_7 : vector<1x10000x1xf32> to vector<10000xf32>
    %add3A = arith.addf %get3A_3, %get3A_8 : vector<10000xf32>
    %add3A_9 = arith.constant 1.000000e+00 : f32
    %add3A_10 = vector.broadcast %add3A_9 : f32 to vector<10000xf32>
    %add3A_11 = arith.addf %add3A, %add3A_10 : vector<10000xf32>
    %rsqrt3A = math.rsqrt %add3A_11 : vector<10000xf32>
    %get3A_12 = arith.constant 0 : index
    %get3A_13 = arith.constant 0 : index
    %get3A_14 = arith.constant 0 : index
    %get3A_15 = vector.load %arg0[%get3A_12, %get3A_13, %get3A_14] : memref<2x10000x128xf32, #tpu.memory_space<vmem>>, vector<1x10000x128xf32>
    %get3A_16 = vector.shape_cast %get3A_15 : vector<1x10000x128xf32> to vector<10000x128xf32>
    %get3A_17 = arith.constant 1 : index
    %get3A_18 = arith.constant 0 : index
    %get3A_19 = arith.constant 0 : index
    %get3A_20 = vector.load %arg0[%get3A_17, %get3A_18, %get3A_19] : memref<2x10000x128xf32, #tpu.memory_space<vmem>>, vector<1x10000x128xf32>
    %get3A_21 = vector.shape_cast %get3A_20 : vector<1x10000x128xf32> to vector<10000x128xf32>
    %add3A_22 = arith.addf %get3A_16, %get3A_21 : vector<10000x128xf32>
    %broadcast_in_dim3A = vector.shape_cast %rsqrt3A : vector<10000xf32> to vector<10000x1xf32>
    %mul3A = vector.broadcast %broadcast_in_dim3A : vector<10000x1xf32> to vector<10000x128xf32>
    %mul3A_23 = arith.mulf %add3A_22, %mul3A : vector<10000x128xf32>
    %get3A_24 = arith.constant 0 : index
    %get3A_25 = arith.constant 0 : index
    %get3A_26 = vector.load %arg2[%get3A_24, %get3A_25] : memref<1x128xf32, #tpu.memory_space<vmem>>, vector<1x128xf32>
    %get3A_27 = vector.shape_cast %get3A_26 : vector<1x128xf32> to vector<128xf32>
    %broadcast_in_dim3A_28 = vector.shape_cast %get3A_27 : vector<128xf32> to vector<1x128xf32>
    %add3A_29 = vector.broadcast %broadcast_in_dim3A_28 : vector<1x128xf32> to vector<10000x128xf32>
    %add3A_30 = arith.addf %mul3A_23, %add3A_29 : vector<10000x128xf32>
    %swap3A = arith.constant 0 : index
    %swap3A_31 = arith.constant 0 : index
    %swap3A_32 = vector.load %arg3[%swap3A, %swap3A_31] : memref<10000x128xf32, #tpu.memory_space<vmem>>, vector<10000x128xf32>
    tpu.vector_store %arg3[%swap3A, %swap3A_31], %add3A_30 {strides = array<i32>} : memref<10000x128xf32, #tpu.memory_space<vmem>>, vector<10000x128xf32>,
    return
  }
}

</mosaic_0001>

<sc_bundles>
// kernel: kernel.6.cloned.1.call-start
scs
__scs_entry_jumppad:
0x0: {  	(pc) =	sbr.rel $0x88, $3  }
0x1: {  	(tag) =	ssettag $0x0;
	lr =	simm.s32 $0x1  }
0x2: {  	[smem:$0x3F9D] =	sst lr;
	_ =	strace $0xD0000000  }
0x3: {  	_ = 	snop  }
0x4: {  	_ = 	snop  }
0x5: {  	_ = 	snop  }
0x6: {  	_ = 	snop  }
0x7: {  	_ = 	snop  }
__scs_overlays_trampoline_lowered:
0x8: {  	[smem:$0x3FAC] =	sst s0  }
0x9: {  	[smem:$0x3FAD] =	sst s1  }
0xa: {  	[smem:$0x3FAE] =	sst s2  }
0xb: {  	[smem:$0x3FAF] =	sst s3  }
0xc: {  	[smem:$0x3FB0] =	sst s4  }
0xd: {  	[smem:$0x3FB1] =	sst s5  }
0xe: {  	[smem:$0x3FB2] =	sst s6  }
0xf: {  	[smem:$0x3FB3] =	sst s7  }
0x10: {  	[smem:$0x3FB4] =	sst s8  }
0x11: {  	[smem:$0x3FB5] =	sst s9;
	s0 =	simm.s32 @!p0 $0x0  }
0x12: {  	s1 =	sld [smem:$0x3F9B];
	s0 =	simm.s32 @p0 $0x1  }
0x13: {  	[smem:$0x3FB6] =	sst s0;
	s0 =	simm.s32 @!p1 $0x0  }
0x14: {  	s2 =	sld [smem:$0x3F9A];
	s0 =	simm.s32 @p1 $0x1  }
0x15: {  	[smem:$0x3FB7] =	sst s0;
	s0 =	simm.s32 @!p2 $0x0  }
0x16: {  	s3 =	sld [smem:$0x3FDB];
	s0 =	simm.s32 @p2 $0x1  }
0x17: {  	s4 =	simm.s32 $0x1BF5;
	[smem:$0x3FB9] =	sst s0  }
0x18: {  	s0 =	sld [smem:$0x3F9C];
	_ =	swait.ge [sflag:s4], $0x0  }
0x19: {  	s7 =	sld [smem:$0x3F9D]  }
0x1a: {  	s8 =	sadd.s32 $0xFFFFE003, lr  }
0x1b: {  	s9 =	sadd.s32 $0xFFFFFEF7, lr;
	s5 =	simm.s32 $0xFFFFFFFF;
	p2 =	slt.u32 s8, $0xFFFFF086  }
0x1c: {  	p1 =	slt.u32 s9, $0xF7A;
	s5 =	simm.s32 @!p2 $0x0  }
0x1d: {  	s5 =	simm.s32 @p1 $0x1;
	p0 =	seq.s32 s7, s2  }
0x1e: {  	s7 =	smul.u32 @!p0 $0xF7A, s2;
	p2 =	seq.s32 @!p0 s5, $0x0  }
0x1f: {  	s9 =	smul.u32 $0xF7A, s1;
	s8 =	simm.s32 @!p0 $0x1BF5;
	p2 =	por !p2, p0  }
0x20: {  	[sflag:s8] =	ssyncset.s32 @!p0 $0xFFFFF086;
	s6 =	sadd.s32 @!p0 s3, s7;
	s7 =	simm.s32 @!p0 $0x108  }
0x21: {  	s3 =	sadd.s32 s3, s9;
	s6 =	sadd.s32 @!p0 $0x88, s6;
	s7 =	simm.s32 @p2 $0x1082  }
0x22: {  	[simem:s7], [sflag:s8] =	dma.local @!p0 [hbm:s6], $0xF7A  }
0x23: {  	s9 =	sor.u32 $0xD0000000, s2;
	s6 =	simm.s32 $0x108;
	_ =	swait.ge @!p0 [sflag:s8], $0x0  }
0x24: {  	s3 =	sadd.s32 $0x88, s3;
	s6 =	simm.s32 @!p1 $0x1082;
	[sflag:s4] =	ssyncset.s32 $0xFFFFF086  }
0x25: {  	[simem:s6], [sflag:s4] =	dma.local [hbm:s3], $0xF7A  }
0x26: {  	[smem:$0x3F9D] =	sst s1;
	(tag) =	ssettag s2;
	_ =	strace s9  }
0x27: {  	s1 =	sld [smem:$0x3FAD]  }
0x28: {  	s2 =	sld [smem:$0x3FAE]  }
0x29: {  	s4 =	sld [smem:$0x3FB0]  }
0x2a: {  	p0 =	seq.s32 s5, $0x0;
	s5 =	sld [smem:$0x3FB1]  }
0x2b: {  	s6 =	sld [smem:$0x3FB2]  }
0x2c: {  	s7 =	sld [smem:$0x3FB3]  }
0x2d: {  	s3 =	simm.s32 $0x108;
	s8 =	sld [smem:$0x3FB4]  }
0x2e: {  	s3 =	simm.s32 @!p0 $0x1082;
	s9 =	sld [smem:$0x3FB5]  }
0x2f: {  	lr =	sadd.s32 s0, s3;
	s0 =	sld [smem:$0x3FAC]  }
0x30: {  	s3 =	sld [smem:$0x3FAF]  }
0x31: {  	[smem:$0x3FB8] =	sst s10  }
0x32: {  	s10 =	sld [smem:$0x3FB6];
	_ =	sdelay $0x3  }
0x33: {  	p0 =	seq.s32 s10, $0x1;
	s10 =	sld [smem:$0x3FB8];
	_ =	sdelay $0x3  }
0x34: {  	[smem:$0x3FB8] =	sst s10  }
0x35: {  	s10 =	sld [smem:$0x3FB7];
	_ =	sdelay $0x3  }
0x36: {  	p1 =	seq.s32 s10, $0x1;
	s10 =	sld [smem:$0x3FB8];
	_ =	sdelay $0x3  }
0x37: {  	[smem:$0x3FB8] =	sst s10  }
0x38: {  	s10 =	sld [smem:$0x3FB9]  }
0x39: {  	_ = 	snop;
	(pc) =	sbr.ind lr, $3  }
0x3a: {  	_ = 	snop  }
0x3b: {  	_ = 	snop  }
0x3c: {  	p2 =	seq.s32 s10, $0x1;
	s10 =	sld [smem:$0x3FB8]  }
0x3d: {  	_ =	shalt  }
0x3e: {  	_ =	shalt  }
0x3f: {  	_ =	shalt  }
0x40: {  	_ =	shalt  }
0x41: {  	_ =	shalt  }
0x42: {  	_ =	shalt  }
0x43: {  	_ =	shalt  }
0x44: {  	_ =	shalt  }
0x45: {  	_ =	shalt  }
0x46: {  	_ =	shalt  }
0x47: {  	_ =	shalt  }
0x48: {  	_ =	shalt  }
0x49: {  	_ =	shalt  }
0x4a: {  	_ =	shalt  }
0x4b: {  	_ =	shalt  }
0x4c: {  	_ =	shalt  }
0x4d: {  	_ =	shalt  }
0x4e: {  	_ =	shalt  }
0x4f: {  	_ =	shalt  }
0x50: {  	_ =	shalt  }
0x51: {  	_ =	shalt  }
0x52: {  	_ =	shalt  }
0x53: {  	_ =	shalt  }
0x54: {  	_ =	shalt  }
0x55: {  	_ =	shalt  }
0x56: {  	_ =	shalt  }
0x57: {  	_ =	shalt  }
0x58: {  	_ =	shalt  }
0x59: {  	_ =	shalt  }
0x5a: {  	_ =	shalt  }
0x5b: {  	_ =	shalt  }
0x5c: {  	_ =	shalt  }
0x5d: {  	_ =	shalt  }
0x5e: {  	_ =	shalt  }
0x5f: {  	_ =	shalt  }
0x60: {  	_ =	shalt  }
0x61: {  	_ =	shalt  }
0x62: {  	_ =	shalt  }
0x63: {  	_ =	shalt  }
0x64: {  	_ =	shalt  }
0x65: {  	_ =	shalt  }
0x66: {  	_ =	shalt  }
0x67: {  	_ =	shalt  }
0x68: {  	_ =	shalt  }
0x69: {  	_ =	shalt  }
0x6a: {  	_ =	shalt  }
0x6b: {  	_ =	shalt  }
0x6c: {  	_ =	shalt  }
0x6d: {  	_ =	shalt  }
0x6e: {  	_ =	shalt  }
0x6f: {  	_ =	shalt  }
0x70: {  	_ =	shalt  }
0x71: {  	_ =	shalt  }
0x72: {  	_ =	shalt  }
0x73: {  	_ =	shalt  }
0x74: {  	_ =	shalt  }
0x75: {  	_ =	shalt  }
0x76: {  	_ =	shalt  }
0x77: {  	_ =	shalt  }
0x78: {  	_ =	shalt  }
0x79: {  	_ =	shalt  }
0x7a: {  	_ =	shalt  }
0x7b: {  	_ =	shalt  }
0x7c: {  	_ =	shalt  }
0x7d: {  	_ =	shalt  }
0x7e: {  	_ =	shalt  }
0x7f: {  	_ =	shalt  }
0x80: {  	_ =	shalt  }
0x81: {  	_ =	shalt  }
0x82: {  	_ =	shalt  }
0x83: {  	_ =	shalt  }
0x84: {  	_ =	shalt  }
0x85: {  	_ =	shalt  }
0x86: {  	_ =	shalt  }
0x87: {  	_ =	shalt  }
.Lfunc_end0:
.L_simem_size_0:
called_computation_lowered:
.L_overlay_start_0:
0x88: {  	s2 =	sld [smem:$0x3FD9]  }
0x89: {  	s3 =	sld [smem:$0x3FFE];
	_ =	sdelay $0x1  }
0x8a: {  	s1 =	srdreg.scid  }
0x8b: {  	s0 =	sand.u32 $0x1, s1  }
0x8c: {  	s17 =	sshll.u32 s0, $0xA;
	s2 =	sadd.s32 s3, s2  }
0x8d: {  	s2 =	sadd.s32 s2, s17  }
0x8e: {  	[smem:$0x3FC4] =	sst s2  }
0x8f: {  	_ = 	snop  }
0x90: {  	s2 =	sld [smem:$0x3FD0];
	(tm) =	ssettm $0x1  }
0x91: {  	s18 =	sld [smem:$0x3FFB];
	_ =	sdelay $0x3  }
0x92: {  	_ =	strace s18  }
0x93: {  	s3 =	sld [smem:$0x3FFC];
	_ =	sdelay $0x3  }
0x94: {  	_ =	strace s3  }
0x95: {  	s3 =	sld [smem:$0x3FFD];
	_ =	sdelay $0x3  }
0x96: {  	_ =	strace s3  }
0x97: {  	_ =	strace $0x8FFFFFFF  }
0x98: {  	s19 =	sld [smem:$0x3FDB];
	_ =	sdelay $0x1  }
0x99: {  	s4 =	simm.s32 $_scs_section_size  }
0x9a: {  	s5 =	simm.s32 $_size__tile_overlayer_lowered;
	s6 =	simm.s32 $_tile_overlayer_lowered  }
0x9b: {  	s22 =	simm.s32 $0x1BFF;
	s21 =	sshll.u32 s6, $0x1;
	s3 =	sadd.s32 s4, s19  }
0x9c: {  	s7 =	simm.s32 $0x0;
	s20 =	sshll.u32 s5, $0x1;
	s5 =	sadd.s32 s21, s3  }
0x9d: {  	[timem:s7], [sflag:s22] =	dma.local [hbm:s5], s20  }
0x9e: {  	_ =	swait.ge [sflag:s22], s20  }
0x9f: {  	s4 =	ssub.s32 $0x0, s20;
	[sflag:s22] =	ssyncset.done $0x0  }
0xa0: {  	[sflag:s22] =	ssyncadd.s32 s4;
	_ =	sdelay $0x1  }
0xa1: {  	s23 =	simm.s32 $0x1B8B  }
0xa2: {  	_ =	swait.ge [sflag:s23], $0x1  }
0xa3: {  	[sflag:s23] =	ssyncset.done $0x0  }
0xa4: {  	s25 =	simm.s32 $0x1B8E;
	s24 =	sld [smem:$0x3FFE];
	[sflag:s23] =	ssyncadd.s32 $0xFFFFFFFF  }
0xa5: {  	s26 =	simm.s32 $execute0_lowered;
	[smem:$0x3FD2] =	sst s25  }
0xa6: {  	s5 =	sshll.u32 s26, $0x1;
	_ =	strace $0x80000046;
	[dreg:$0x1] =	wrdreg $0xFFFFFFFF  }
0xa7: {  	s28 =	simm.s32 $_size_execute0_lowered;
	s3 =	sadd.s32 s3, s5;
	[dreg:$0x0] =	wrdreg $0x0  }
0xa8: {  	s5 =	sshll.u32 s28, $0x1;
	[dreg:$0x2] =	wrdreg s3  }
0xa9: {  	[dreg:$0x3] =	wrdreg s5  }
0xaa: {  	[dreg:$0x4] =	wrdreg $0xC0  }
0xab: {  	_ =	task [dreg:s7], $0x5FFFF  }
0xac: {  	[dreg:$0x1] =	wrdreg $0xFFFFFFFF  }
0xad: {  	[dreg:$0x0] =	wrdreg $0x60  }
0xae: {  	[dreg:$0x2] =	wrdreg s24  }
0xaf: {  	[dreg:$0x3] =	wrdreg s2  }
0xb0: {  	[dreg:$0x4] =	wrdreg $0x68000  }
0xb1: {  	[dreg:$0x5] =	wrdreg $0x9  }
0xb2: {  	_ =	task.clear_ibuf [dreg:s7], $0x6FFFF;
	_ =	strace $0x90000046  }
0xb3: {  	s29 =	simm.s32 $0x9;
	_ =	strace $0x80000048  }
0xb4: {  	_ =	swait.ge [sflag:s29], $0x1  }
0xb5: {  	[sflag:s29] =	ssyncadd.s32 $0xFFFFFFFF  }
0xb6: {  	_ =	strace $0x90000048  }
0xb7: {  	_ =	sfence  }
0xb8: {  	s30 =	sld [smem:$0x0];
	_ =	sdelay $0x2  }
0xb9: {  	s31 =	sshll.u32 s1, $0xD;
	s1 =	sshrl.u32 s1, $0x2  }
0xba: {  	s3 =	sand.u32 $0x4000, s31;
	s1 =	sadd.s32 s1, s30  }
0xbb: {  	s0 =	sor.u32 s3, s0;
	s1 =	sshll.u32 s1, $0x11  }
0xbc: {  	s0 =	sor.u32 s1, s0  }
0xbd: {  	s0 =	sadd.s32 $0x8F2B, s0  }
0xbe: {  	[sflag:s0] =	ssyncadd.remote.s32 $0x1  }
0xbf: {  	_ =	sfence.sel $0xFFFF  }
0xc0: {  	[dreg:$0x0] =	wrdreg $0xFFFFFFFF;
	(pc) =	sbr.abs _section_cstart, $3  }
0xc1: {  	[dreg:$0x1] =	wrdreg $0xFFFFFFFF  }
0xc2: {  	_ =	task.clear_ibuf [dreg:s7], $0x2FFFF;
	_ =	strace $0x9FFFFFFF  }
0xc3: {  	(tm) =	ssettm $0x7FFFFFFF  }
tec
execute0_lowered:
.L_overlay_start_1:
0x0: {  	(tag) =	ssettag $0x1  }
0x1: {  	s6 =	rddreg [dreg:$0x0]  }
0x2: {  	s1 =	rddreg [dreg:$0x1]  }
0x3: {  	s2 =	rddreg [dreg:$0x2];
	s3 =	srdreg.scid  }
0x4: {  	s0 =	rddreg [dreg:$0x3];
	s4 =	simm.s32 $0x0;
	s12 =	simm.s32 $0x1  }
0x5: {  	s13 =	simm.s32 $0x50;
	s7 =	sand.u32 $0x1, s3;
	s3 =	stileid.u32  }
0x6: {  	s14 =	simm.s32 $0x0;
	[smem:$0x7FF] =	sst s4;
	s8 =	smul.u32 $0x138800, s7  }
0x7: {  	s9 =	smul.u32 $0x1F400, s3;
	_ =	strace $0x80000047;
	s5 =	sshll.u32 s3, $0xB  }
0x8: {  	s29 =	ssub.s32 $0x2, s7;
	s11 =	smul.u32 $0x7D000, s3;
	s7 =	sshll.u32 s7, $0xF  }
0x9: {  	p0 =	sgt.u32 s3, $0x9;
	s10 =	sadd.s32 s5, s6;
	s30 =	sshrl.u32 s29, $0x1  }
0xa: {  	s5 =	sadd.s32 $0x1B000, s6;
	s8 =	sadd.s32 s9, s8;
	s9 =	ssub.s32 s29, s30  }
0xb: {  	s31 =	sshrl.u32 s11, $0x2;
	s7 =	sadd.s32 s7, s10;
	s8 =	sshrl.u32 s8, $0x3  }
0xc: {  	s10 =	sadd.s32 s31, s2;
	s8 =	sadd.s32 s8, s6;
	s6 =	sadd.s32 $0xB000, s7  }
0xd: {  	s7 =	sadd.s32 $0x1B600, s8;
	s8 =	smax.u32 s9, $0x1;
	s9 =	sshll.u32 @!p0 s3, $0x6  }
0xe: {  	s11 =	simm.s32 $0x4000;
	s10 =	sshrl.u32 @!p0 s10, $0x3;
	s9 =	sor.u32 @!p0 $0x1C01, s9  }
.LBB2_1:
0xf: {  	[spmem:s10], [sflag:s9] =	dma.local @!p0 [hbm:s1], $0x3E80  }
0x10: {  	s15 =	simm.s32 @!p0 $0x1  }
0x11: {  	_ =	swait.ge @!p0 [sflag:s15], $0x3E80  }
0x12: {  	[sflag:s15] =	ssyncset.done @!p0 $0x0  }
0x13: {  	[sflag:s15] =	ssyncadd.s32 @!p0 $0xFFFFC180  }
0x14: {  	[tilespmem:s11], [sflag:$0x1] =	stream.linear.gather [hbm4b:s5+s4], $0x2800, $0x38;
	[tilespmem:$0x8F10] =	vst v63  }
0x15: {  	_ =	swait.ge [sflag:s12], $0x2800  }
0x16: {  	[sflag:s12] =	ssyncset.done $0x0  }
0x17: {  	[sflag:s12] =	ssyncadd.s32 $0xFFFFD800  }
0x18: {  	[tilespmem:s4], [sflag:$0x1] =	stream.linear.gather [hbm4b:s6+s4], $0x3E80, $0x38;
	[tilespmem:$0x8F10] =	vst v63  }
0x19: {  	_ =	swait.ge [sflag:s12], $0x3E80  }
0x1a: {  	[sflag:s12] =	ssyncset.done $0x0  }
0x1b: {  	[sflag:s12] =	ssyncadd.s32 $0xFFFFC180  }
0x1c: {  	s31 =	simm.s32 $0x0;
	[bflag:$0x0] =	sbarrier.arrive $0xFFFF  }
0x1d: {  	[spmem:s2] =	stream.indirect.scatter.add.f32 [tilespmem:s11], [sflag:$0x1], $0x10, s31, s13, $0xb8;
	[tilespmem:$0x8F10] =	vst v63  }
0x1e: {  	_ =	swait.ge [sflag:s12], $0x500  }
0x1f: {  	s15 =	simm.s32 $0x200;
	[sflag:s12] =	ssyncset.done $0x0  }
.LBB2_2:
0x20: {  	s16 =	sshra.s32 s15, $0x2;
	[sflag:s12] =	ssyncadd.s32 $0xFFFFFB00;
	p1 =	sne.s32 s15, $0xF800  }
0x21: {  	[spmem:s2] =	stream.indirect.scatter.add.f32 [tilespmem:s11], [sflag:$0x1], $0x10, s16, s13, $0xb8;
	[tilespmem:$0x8F10] =	vst v63  }
.Ltmp0:
0x22: {  	_ = 	snop;
	(pc) =	sbr.rel @p1 .LBB2_2-.Ltmp0, $4  }
0x23: {  	_ = 	snop  }
0x24: {  	s15 =	sadd.s32 $0x200, s15  }
0x25: {  	_ =	swait.ge [sflag:s12], $0x500  }
0x26: {  	[sflag:s12] =	ssyncset.done $0x0  }
0x27: {  	s14 =	sadd.s32 $0x1, s14  }
0x28: {  	[sflag:s12] =	ssyncadd.s32 $0xFFFFFB00;
	p1 =	sne.s32 s14, s8  }
.Ltmp1:
0x29: {  	s15 =	simm.s32 @!p0 $0x1;
	[bflag:$0x0] =	sbarrier.arrive $0xFFFF;
	(pc) =	sbr.rel @p1 .LBB2_1-.Ltmp1, $4  }
0x2a: {  	[hbm:s7], [sflag:s9] =	dma.local @!p0 [spmem:s10], $0x3E80  }
0x2b: {  	_ =	swait.ge @!p0 [sflag:s15], $0x3E80  }
0x2c: {  	[sflag:s15] =	ssyncset.done @!p0 $0x0  }
0x2d: {  	[sflag:s15] =	ssyncadd.s32 @!p0 $0xFFFFC180  }
0x2e: {  	_ =	sfence.sel $0x180000  }
0x2f: {  	[bflag:$0x0] =	sbarrier.arrive $0xFFFF  }
0x30: {  	p0 =	sne.s32 s3, $0x0;
	_ =	strace $0x90000047  }
0x31: {  	s0 =	sadd.s32 @!p0 $0x100000, s0;
	[bflag:$0x2] =	sbarrier.arrive $0xFFFF  }
0x32: {  	[sflag:s0] =	ssyncadd.tile.s32 @!p0 $0x1;
	_ =	shalt  }
.Lfunc_end2:
_tile_overlayer_lowered:
.L_overlay_start_2:
0x33: {  	(tag) =	ssettag $0x2  }
0x34: {  	s0 =	rddreg [dreg:$0x0];
	s2 =	stileid.u32  }
0x35: {  	s1 =	rddreg [dreg:$0x1];
	p0 =	sne.s32 s2, $0x0  }
0x36: {  	s3 =	rddreg [dreg:$0x2];
	[bflag:$0x3] =	sbarrier.arrive $0xFFFF;
	s2 =	simm.s32 @!p0 $0x1C01  }
0x37: {  	[timem:s3], [sflag:s2] =	dma.local @!p0 [hbm:s0], s1  }
0x38: {  	s0 =	simm.s32 @!p0 $0x1  }
0x39: {  	_ =	swait.ge @!p0 [sflag:s0], s1  }
0x3a: {  	s1 =	ssub.s32 @!p0 $0x0, s1;
	[sflag:s0] =	ssyncset.done @!p0 $0x0  }
0x3b: {  	[sflag:s0] =	ssyncadd.s32 @!p0 s1  }
0x3c: {  	[bflag:$0x3] =	sbarrier.arrive $0xFFFF  }
0x3d: {  	_ =	shalt  }

// kernel: kernel.9.cloned.1.call-start
scs
__scs_entry_jumppad:
0x0: {  	(pc) =	sbr.rel $0x88, $3  }
0x1: {  	(tag) =	ssettag $0x0;
	lr =	simm.s32 $0x1  }
0x2: {  	[smem:$0x3F9D] =	sst lr;
	_ =	strace $0xD0000000  }
0x3: {  	_ = 	snop  }
0x4: {  	_ = 	snop  }
0x5: {  	_ = 	snop  }
0x6: {  	_ = 	snop  }
0x7: {  	_ = 	snop  }
__scs_overlays_trampoline_lowered:
0x8: {  	[smem:$0x3FAC] =	sst s0  }
0x9: {  	[smem:$0x3FAD] =	sst s1  }
0xa: {  	[smem:$0x3FAE] =	sst s2  }
0xb: {  	[smem:$0x3FAF] =	sst s3  }
0xc: {  	[smem:$0x3FB0] =	sst s4  }
0xd: {  	[smem:$0x3FB1] =	sst s5  }
0xe: {  	[smem:$0x3FB2] =	sst s6  }
0xf: {  	[smem:$0x3FB3] =	sst s7  }
0x10: {  	[smem:$0x3FB4] =	sst s8  }
0x11: {  	[smem:$0x3FB5] =	sst s9;
	s0 =	simm.s32 @!p0 $0x0  }
0x12: {  	s1 =	sld [smem:$0x3F9B];
	s0 =	simm.s32 @p0 $0x1  }
0x13: {  	[smem:$0x3FB6] =	sst s0;
	s0 =	simm.s32 @!p1 $0x0  }
0x14: {  	s2 =	sld [smem:$0x3F9A];
	s0 =	simm.s32 @p1 $0x1  }
0x15: {  	[smem:$0x3FB7] =	sst s0;
	s0 =	simm.s32 @!p2 $0x0  }
0x16: {  	s3 =	sld [smem:$0x3FDB];
	s0 =	simm.s32 @p2 $0x1  }
0x17: {  	s4 =	simm.s32 $0x1BF5;
	[smem:$0x3FB9] =	sst s0  }
0x18: {  	s0 =	sld [smem:$0x3F9C];
	_ =	swait.ge [sflag:s4], $0x0  }
0x19: {  	s7 =	sld [smem:$0x3F9D]  }
0x1a: {  	s8 =	sadd.s32 $0xFFFFE003, lr  }
0x1b: {  	s9 =	sadd.s32 $0xFFFFFEF7, lr;
	s5 =	simm.s32 $0xFFFFFFFF;
	p2 =	slt.u32 s8, $0xFFFFF086  }
0x1c: {  	p1 =	slt.u32 s9, $0xF7A;
	s5 =	simm.s32 @!p2 $0x0  }
0x1d: {  	s5 =	simm.s32 @p1 $0x1;
	p0 =	seq.s32 s7, s2  }
0x1e: {  	s7 =	smul.u32 @!p0 $0xF7A, s2;
	p2 =	seq.s32 @!p0 s5, $0x0  }
0x1f: {  	s9 =	smul.u32 $0xF7A, s1;
	s8 =	simm.s32 @!p0 $0x1BF5;
	p2 =	por !p2, p0  }
0x20: {  	[sflag:s8] =	ssyncset.s32 @!p0 $0xFFFFF086;
	s6 =	sadd.s32 @!p0 s3, s7;
	s7 =	simm.s32 @!p0 $0x108  }
0x21: {  	s3 =	sadd.s32 s3, s9;
	s6 =	sadd.s32 @!p0 $0x88, s6;
	s7 =	simm.s32 @p2 $0x1082  }
0x22: {  	[simem:s7], [sflag:s8] =	dma.local @!p0 [hbm:s6], $0xF7A  }
0x23: {  	s9 =	sor.u32 $0xD0000000, s2;
	s6 =	simm.s32 $0x108;
	_ =	swait.ge @!p0 [sflag:s8], $0x0  }
0x24: {  	s3 =	sadd.s32 $0x88, s3;
	s6 =	simm.s32 @!p1 $0x1082;
	[sflag:s4] =	ssyncset.s32 $0xFFFFF086  }
0x25: {  	[simem:s6], [sflag:s4] =	dma.local [hbm:s3], $0xF7A  }
0x26: {  	[smem:$0x3F9D] =	sst s1;
	(tag) =	ssettag s2;
	_ =	strace s9  }
0x27: {  	s1 =	sld [smem:$0x3FAD]  }
0x28: {  	s2 =	sld [smem:$0x3FAE]  }
0x29: {  	s4 =	sld [smem:$0x3FB0]  }
0x2a: {  	p0 =	seq.s32 s5, $0x0;
	s5 =	sld [smem:$0x3FB1]  }
0x2b: {  	s6 =	sld [smem:$0x3FB2]  }
0x2c: {  	s7 =	sld [smem:$0x3FB3]  }
0x2d: {  	s3 =	simm.s32 $0x108;
	s8 =	sld [smem:$0x3FB4]  }
0x2e: {  	s3 =	simm.s32 @!p0 $0x1082;
	s9 =	sld [smem:$0x3FB5]  }
0x2f: {  	lr =	sadd.s32 s0, s3;
	s0 =	sld [smem:$0x3FAC]  }
0x30: {  	s3 =	sld [smem:$0x3FAF]  }
0x31: {  	[smem:$0x3FB8] =	sst s10  }
0x32: {  	s10 =	sld [smem:$0x3FB6];
	_ =	sdelay $0x3  }
0x33: {  	p0 =	seq.s32 s10, $0x1;
	s10 =	sld [smem:$0x3FB8];
	_ =	sdelay $0x3  }
0x34: {  	[smem:$0x3FB8] =	sst s10  }
0x35: {  	s10 =	sld [smem:$0x3FB7];
	_ =	sdelay $0x3  }
0x36: {  	p1 =	seq.s32 s10, $0x1;
	s10 =	sld [smem:$0x3FB8];
	_ =	sdelay $0x3  }
0x37: {  	[smem:$0x3FB8] =	sst s10  }
0x38: {  	s10 =	sld [smem:$0x3FB9]  }
0x39: {  	_ = 	snop;
	(pc) =	sbr.ind lr, $3  }
0x3a: {  	_ = 	snop  }
0x3b: {  	_ = 	snop  }
0x3c: {  	p2 =	seq.s32 s10, $0x1;
	s10 =	sld [smem:$0x3FB8]  }
0x3d: {  	_ =	shalt  }
0x3e: {  	_ =	shalt  }
0x3f: {  	_ =	shalt  }
0x40: {  	_ =	shalt  }
0x41: {  	_ =	shalt  }
0x42: {  	_ =	shalt  }
0x43: {  	_ =	shalt  }
0x44: {  	_ =	shalt  }
0x45: {  	_ =	shalt  }
0x46: {  	_ =	shalt  }
0x47: {  	_ =	shalt  }
0x48: {  	_ =	shalt  }
0x49: {  	_ =	shalt  }
0x4a: {  	_ =	shalt  }
0x4b: {  	_ =	shalt  }
0x4c: {  	_ =	shalt  }
0x4d: {  	_ =	shalt  }
0x4e: {  	_ =	shalt  }
0x4f: {  	_ =	shalt  }
0x50: {  	_ =	shalt  }
0x51: {  	_ =	shalt  }
0x52: {  	_ =	shalt  }
0x53: {  	_ =	shalt  }
0x54: {  	_ =	shalt  }
0x55: {  	_ =	shalt  }
0x56: {  	_ =	shalt  }
0x57: {  	_ =	shalt  }
0x58: {  	_ =	shalt  }
0x59: {  	_ =	shalt  }
0x5a: {  	_ =	shalt  }
0x5b: {  	_ =	shalt  }
0x5c: {  	_ =	shalt  }
0x5d: {  	_ =	shalt  }
0x5e: {  	_ =	shalt  }
0x5f: {  	_ =	shalt  }
0x60: {  	_ =	shalt  }
0x61: {  	_ =	shalt  }
0x62: {  	_ =	shalt  }
0x63: {  	_ =	shalt  }
0x64: {  	_ =	shalt  }
0x65: {  	_ =	shalt  }
0x66: {  	_ =	shalt  }
0x67: {  	_ =	shalt  }
0x68: {  	_ =	shalt  }
0x69: {  	_ =	shalt  }
0x6a: {  	_ =	shalt  }
0x6b: {  	_ =	shalt  }
0x6c: {  	_ =	shalt  }
0x6d: {  	_ =	shalt  }
0x6e: {  	_ =	shalt  }
0x6f: {  	_ =	shalt  }
0x70: {  	_ =	shalt  }
0x71: {  	_ =	shalt  }
0x72: {  	_ =	shalt  }
0x73: {  	_ =	shalt  }
0x74: {  	_ =	shalt  }
0x75: {  	_ =	shalt  }
0x76: {  	_ =	shalt  }
0x77: {  	_ =	shalt  }
0x78: {  	_ =	shalt  }
0x79: {  	_ =	shalt  }
0x7a: {  	_ =	shalt  }
0x7b: {  	_ =	shalt  }
0x7c: {  	_ =	shalt  }
0x7d: {  	_ =	shalt  }
0x7e: {  	_ =	shalt  }
0x7f: {  	_ =	shalt  }
0x80: {  	_ =	shalt  }
0x81: {  	_ =	shalt  }
0x82: {  	_ =	shalt  }
0x83: {  	_ =	shalt  }
0x84: {  	_ =	shalt  }
0x85: {  	_ =	shalt  }
0x86: {  	_ =	shalt  }
0x87: {  	_ =	shalt  }
.Lfunc_end0:
.L_simem_size_0:
called_computation.1_lowered:
.L_overlay_start_0:
0x88: {  	s2 =	sld [smem:$0x3FD9]  }
0x89: {  	s3 =	sld [smem:$0x3FFE];
	_ =	sdelay $0x1  }
0x8a: {  	s1 =	srdreg.scid  }
0x8b: {  	s0 =	sand.u32 $0x1, s1  }
0x8c: {  	s17 =	sshll.u32 s0, $0xA;
	s2 =	sadd.s32 s3, s2  }
0x8d: {  	s2 =	sadd.s32 s2, s17  }
0x8e: {  	[smem:$0x3FC4] =	sst s2  }
0x8f: {  	_ = 	snop  }
0x90: {  	s2 =	sld [smem:$0x3FD0];
	(tm) =	ssettm $0x1  }
0x91: {  	s18 =	sld [smem:$0x3FFB];
	_ =	sdelay $0x3  }
0x92: {  	_ =	strace s18  }
0x93: {  	s3 =	sld [smem:$0x3FFC];
	_ =	sdelay $0x3  }
0x94: {  	_ =	strace s3  }
0x95: {  	s3 =	sld [smem:$0x3FFD];
	_ =	sdelay $0x3  }
0x96: {  	_ =	strace s3  }
0x97: {  	_ =	strace $0x8FFFFFFF  }
0x98: {  	s19 =	sld [smem:$0x3FDB];
	_ =	sdelay $0x1  }
0x99: {  	s4 =	simm.s32 $_scs_section_size  }
0x9a: {  	s5 =	simm.s32 $_size__tile_overlayer_lowered;
	s6 =	simm.s32 $_tile_overlayer_lowered  }
0x9b: {  	s22 =	simm.s32 $0x1BFF;
	s21 =	sshll.u32 s6, $0x1;
	s3 =	sadd.s32 s4, s19  }
0x9c: {  	s7 =	simm.s32 $0x0;
	s20 =	sshll.u32 s5, $0x1;
	s5 =	sadd.s32 s21, s3  }
0x9d: {  	[timem:s7], [sflag:s22] =	dma.local [hbm:s5], s20  }
0x9e: {  	_ =	swait.ge [sflag:s22], s20  }
0x9f: {  	s4 =	ssub.s32 $0x0, s20;
	[sflag:s22] =	ssyncset.done $0x0  }
0xa0: {  	[sflag:s22] =	ssyncadd.s32 s4;
	_ =	sdelay $0x1  }
0xa1: {  	s23 =	simm.s32 $0x1B8B  }
0xa2: {  	_ =	swait.ge [sflag:s23], $0x1  }
0xa3: {  	[sflag:s23] =	ssyncset.done $0x0  }
0xa4: {  	s25 =	simm.s32 $0x1B8E;
	s24 =	sld [smem:$0x3FFE];
	[sflag:s23] =	ssyncadd.s32 $0xFFFFFFFF  }
0xa5: {  	s26 =	simm.s32 $execute0_lowered;
	[smem:$0x3FD2] =	sst s25  }
0xa6: {  	s5 =	sshll.u32 s26, $0x1;
	_ =	strace $0x80000049;
	[dreg:$0x1] =	wrdreg $0xFFFFFFFF  }
0xa7: {  	s28 =	simm.s32 $_size_execute0_lowered;
	s3 =	sadd.s32 s3, s5;
	[dreg:$0x0] =	wrdreg $0x0  }
0xa8: {  	s5 =	sshll.u32 s28, $0x1;
	[dreg:$0x2] =	wrdreg s3  }
0xa9: {  	[dreg:$0x3] =	wrdreg s5  }
0xaa: {  	[dreg:$0x4] =	wrdreg $0xC0  }
0xab: {  	_ =	task [dreg:s7], $0x5FFFF  }
0xac: {  	[dreg:$0x1] =	wrdreg $0xFFFFFFFF  }
0xad: {  	[dreg:$0x0] =	wrdreg $0x60  }
0xae: {  	[dreg:$0x2] =	wrdreg s2  }
0xaf: {  	[dreg:$0x3] =	wrdreg s24  }
0xb0: {  	[dreg:$0x4] =	wrdreg $0xB7800  }
0xb1: {  	[dreg:$0x5] =	wrdreg $0x9  }
0xb2: {  	_ =	task.clear_ibuf [dreg:s7], $0x6FFFF;
	_ =	strace $0x90000049  }
0xb3: {  	s29 =	simm.s32 $0x9;
	_ =	strace $0x8000004B  }
0xb4: {  	_ =	swait.ge [sflag:s29], $0x1  }
0xb5: {  	[sflag:s29] =	ssyncadd.s32 $0xFFFFFFFF  }
0xb6: {  	_ =	strace $0x9000004B  }
0xb7: {  	_ =	sfence  }
0xb8: {  	s30 =	sld [smem:$0x0];
	_ =	sdelay $0x2  }
0xb9: {  	s31 =	sshll.u32 s1, $0xD;
	s1 =	sshrl.u32 s1, $0x2  }
0xba: {  	s3 =	sand.u32 $0x4000, s31;
	s1 =	sadd.s32 s1, s30  }
0xbb: {  	s0 =	sor.u32 s3, s0;
	s1 =	sshll.u32 s1, $0x11  }
0xbc: {  	s0 =	sor.u32 s1, s0  }
0xbd: {  	s0 =	sadd.s32 $0x8F2B, s0  }
0xbe: {  	[sflag:s0] =	ssyncadd.remote.s32 $0x1  }
0xbf: {  	_ =	sfence.sel $0xFFFF  }
0xc0: {  	[dreg:$0x0] =	wrdreg $0xFFFFFFFF;
	(pc) =	sbr.abs _section_cstart, $3  }
0xc1: {  	[dreg:$0x1] =	wrdreg $0xFFFFFFFF  }
0xc2: {  	_ =	task.clear_ibuf [dreg:s7], $0x2FFFF;
	_ =	strace $0x9FFFFFFF  }
0xc3: {  	(tm) =	ssettm $0x7FFFFFFF  }
tec
execute0_lowered:
.L_overlay_start_1:
0x0: {  	(tag) =	ssettag $0x1  }
0x1: {  	s1 =	rddreg [dreg:$0x0]  }
0x2: {  	s7 =	rddreg [dreg:$0x1]  }
0x3: {  	s0 =	srdreg.scid;
	s3 =	rddreg [dreg:$0x2]  }
0x4: {  	s4 =	simm.s32 $0x0;
	s13 =	simm.s32 $0x50;
	s14 =	simm.s32 $0x6780  }
0x5: {  	s15 =	simm.s32 $0x1;
	s16 =	simm.s32 $0x8F80;
	s6 =	sand.u32 $0x1, s0  }
0x6: {  	s17 =	simm.s32 $0x2;
	s0 =	stileid.u32;
	s9 =	smul.u32 $0x138800, s6  }
0x7: {  	s18 =	simm.s32 $0x0;
	[smem:$0x7FF] =	sst s4;
	s10 =	smul.u32 $0x1F400, s0  }
0x8: {  	s2 =	sshll.u32 s6, $0x4;
	s12 =	smul.u32 $0x7D000, s0;
	s6 =	ssub.s32 $0x2, s6  }
0x9: {  	p0 =	sgt.u32 s0, $0x9;
	s5 =	sor.u32 s0, s2;
	s2 =	rddreg [dreg:$0x3]  }
0xa: {  	_ =	strace $0x8000004A;
	s31 =	sshrl.u32 s6, $0x1;
	s8 =	smul.u32 $0x4E2, s5  }
0xb: {  	s5 =	sshll.u32 s5, $0xB;
	s9 =	sadd.s32 s10, s9;
	s12 =	sshrl.u32 s12, $0x2  }
0xc: {  	s10 =	ssub.s32 s6, s31;
	s11 =	sadd.s32 s5, s7;
	s5 =	sadd.s32 $0x1B000, s7  }
0xd: {  	s9 =	sshrl.u32 s9, $0x3;
	s12 =	sadd.s32 s12, s3;
	s8 =	sadd.s32 s8, s7  }
0xe: {  	s9 =	sadd.s32 s9, s7;
	s6 =	sadd.s32 $0xB000, s11;
	s7 =	sadd.s32 $0x1200, s8  }
0xf: {  	s8 =	sadd.s32 $0x1F000, s9;
	s9 =	smax.u32 s10, $0x1;
	s10 =	sshll.u32 @!p0 s0, $0x6  }
0x10: {  	s11 =	sshrl.u32 @!p0 s12, $0x3;
	s12 =	simm.s32 $0x3;
	s10 =	sor.u32 @!p0 $0x1C03, s10  }
.LBB2_1:
0x11: {  	[spmem:s11], [sflag:s10] =	dma.local @!p0 [hbm:s5], $0x3E80  }
0x12: {  	s19 =	simm.s32 @!p0 $0x3  }
0x13: {  	_ =	swait.ge @!p0 [sflag:s19], $0x3E80  }
0x14: {  	[sflag:s19] =	ssyncset.done @!p0 $0x0  }
0x15: {  	[sflag:s19] =	ssyncadd.s32 @!p0 $0xFFFFC180  }
0x16: {  	[tilespmem:s4], [sflag:$0x3] =	stream.linear.gather [hbm4b:s6+s4], $0x3E80, $0x38;
	[tilespmem:$0x1F000] =	vst v63  }
0x17: {  	_ =	swait.ge [sflag:s12], $0x3E80  }
0x18: {  	[sflag:s12] =	ssyncset.done $0x0  }
0x19: {  	s19 =	simm.s32 $0x4000;
	[sflag:s12] =	ssyncadd.s32 $0xFFFFC180  }
0x1a: {  	[tilespmem:s19], [sflag:$0x3] =	stream.linear.gather [hbm4b:s7+s4], $0x2710, $0x38;
	[tilespmem:$0x1F000] =	vst v63  }
0x1b: {  	_ =	swait.ge [sflag:s12], $0x2710  }
0x1c: {  	[sflag:s12] =	ssyncset.done $0x0  }
0x1d: {  	[sflag:s12] =	ssyncadd.s32 $0xFFFFD8F0  }
0x1e: {  	[bflag:$0x0] =	sbarrier.arrive $0xFFFF  }
0x1f: {  	[tilespmem:s14], [sflag:$0x1] =	stream.indirect.gather [hbm4b:s1+s13], $0x80, s19, s13, $0xb8;
	[tilespmem:$0x1F000] =	vst v63  }
0x20: {  	_ =	swait.ge [sflag:s15], $0x2800  }
0x21: {  	[sflag:s15] =	ssyncset.done $0x0  }
0x22: {  	s20 =	simm.s32 $0x4050;
	[sflag:s15] =	ssyncadd.s32 $0xFFFFD800  }
0x23: {  	[tilespmem:s16], [sflag:$0x2] =	stream.indirect.gather [hbm4b:s1+s13], $0x80, s20, s13, $0xb8;
	[tilespmem:$0x1F000] =	vst v63  }
0x24: {  	s23 =	simm.s32 $0x0  }
0x25: {  	[spmem:s3] =	stream.indirect.scatter.add.f32 [tilespmem:s14], [sflag:$0x3], $0x80, s23, s13, $0xb8;
	[tilespmem:$0x1F000] =	vst v63  }
0x26: {  	_ =	swait.ge [sflag:s12], $0x2800  }
0x27: {  	[sflag:s12] =	ssyncset.done $0x0  }
0x28: {  	[sflag:s12] =	ssyncadd.s32 $0xFFFFD800  }
0x29: {  	_ =	swait.ge [sflag:s17], $0x2800  }
0x2a: {  	[sflag:s17] =	ssyncset.done $0x0  }
0x2b: {  	s24 =	simm.s32 $0x40A0;
	[sflag:s17] =	ssyncadd.s32 $0xFFFFD800  }
0x2c: {  	[tilespmem:s14], [sflag:$0x1] =	stream.indirect.gather [hbm4b:s1+s13], $0x80, s24, s13, $0xb8;
	[tilespmem:$0x1F000] =	vst v63  }
0x2d: {  	s25 =	simm.s32 $0x80  }
0x2e: {  	[spmem:s3] =	stream.indirect.scatter.add.f32 [tilespmem:s16], [sflag:$0x3], $0x80, s25, s13, $0xb8;
	[tilespmem:$0x1F000] =	vst v63  }
0x2f: {  	_ =	swait.ge [sflag:s12], $0x2800  }
0x30: {  	[sflag:s12] =	ssyncset.done $0x0  }
0x31: {  	[sflag:s12] =	ssyncadd.s32 $0xFFFFD800  }
0x32: {  	_ =	swait.ge [sflag:s15], $0x2800  }
0x33: {  	[sflag:s15] =	ssyncset.done $0x0  }
0x34: {  	s26 =	simm.s32 $0x40F0;
	[sflag:s15] =	ssyncadd.s32 $0xFFFFD800  }
0x35: {  	[tilespmem:s16], [sflag:$0x2] =	stream.indirect.gather [hbm4b:s1+s13], $0x80, s26, s13, $0xb8;
	[tilespmem:$0x1F000] =	vst v63  }
0x36: {  	s28 =	simm.s32 $0x100  }
0x37: {  	[spmem:s3] =	stream.indirect.scatter.add.f32 [tilespmem:s14], [sflag:$0x3], $0x80, s28, s13, $0xb8;
	[tilespmem:$0x1F000] =	vst v63  }
0x38: {  	_ =	swait.ge [sflag:s12], $0x2800  }
0x39: {  	[sflag:s12] =	ssyncset.done $0x0  }
0x3a: {  	[sflag:s12] =	ssyncadd.s32 $0xFFFFD800  }
0x3b: {  	_ =	swait.ge [sflag:s17], $0x2800  }
0x3c: {  	[sflag:s17] =	ssyncset.done $0x0  }
0x3d: {  	s29 =	simm.s32 $0x4140;
	[sflag:s17] =	ssyncadd.s32 $0xFFFFD800  }
0x3e: {  	[tilespmem:s14], [sflag:$0x1] =	stream.indirect.gather [hbm4b:s1+s13], $0x80, s29, s13, $0xb8;
	[tilespmem:$0x1F000] =	vst v63  }
0x3f: {  	s30 =	simm.s32 $0x180  }
0x40: {  	[spmem:s3] =	stream.indirect.scatter.add.f32 [tilespmem:s16], [sflag:$0x3], $0x80, s30, s13, $0xb8;
	[tilespmem:$0x1F000] =	vst v63  }
0x41: {  	_ =	swait.ge [sflag:s12], $0x2800  }
0x42: {  	[sflag:s12] =	ssyncset.done $0x0  }
0x43: {  	[sflag:s12] =	ssyncadd.s32 $0xFFFFD800  }
0x44: {  	_ =	swait.ge [sflag:s15], $0x2800  }
0x45: {  	[sflag:s15] =	ssyncset.done $0x0  }
0x46: {  	s31 =	simm.s32 $0x200;
	[sflag:s15] =	ssyncadd.s32 $0xFFFFD800  }
0x47: {  	[spmem:s3] =	stream.indirect.scatter.add.f32 [tilespmem:s14], [sflag:$0x3], $0x80, s31, s13, $0xb8;
	[tilespmem:$0x1F000] =	vst v63  }
0x48: {  	_ =	swait.ge [sflag:s12], $0x2800  }
0x49: {  	s20 =	simm.s32 $0xA00;
	[sflag:s12] =	ssyncset.done $0x0  }
.LBB2_2:
0x4a: {  	p1 =	sne.s32 s20, $0xF000;
	[sflag:s12] =	ssyncadd.s32 $0xFFFFD800;
	s19 =	sadd.s32 $0x190, s19  }
0x4b: {  	[tilespmem:s14], [sflag:$0x1] =	stream.indirect.gather [hbm4b:s1+s13], $0x80, s19, s13, $0xb8;
	[tilespmem:$0x1F000] =	vst v63  }
0x4c: {  	s21 =	smov.u32 s20;
	s20 =	sadd.s32 $0xA00, s20;
	_ =	swait.ge [sflag:s15], $0x2800  }
0x4d: {  	[sflag:s15] =	ssyncset.done $0x0  }
0x4e: {  	s22 =	sadd.s32 $0x50, s19;
	[sflag:s15] =	ssyncadd.s32 $0xFFFFD800  }
0x4f: {  	[tilespmem:s16], [sflag:$0x2] =	stream.indirect.gather [hbm4b:s1+s13], $0x80, s22, s13, $0xb8;
	[tilespmem:$0x1F000] =	vst v63  }
0x50: {  	s21 =	sshra.s32 s21, $0x2  }
0x51: {  	[spmem:s3] =	stream.indirect.scatter.add.f32 [tilespmem:s14], [sflag:$0x3], $0x80, s21, s13, $0xb8;
	[tilespmem:$0x1F000] =	vst v63  }
0x52: {  	_ =	swait.ge [sflag:s12], $0x2800  }
0x53: {  	[sflag:s12] =	ssyncset.done $0x0  }
0x54: {  	[sflag:s12] =	ssyncadd.s32 $0xFFFFD800  }
0x55: {  	_ =	swait.ge [sflag:s17], $0x2800  }
0x56: {  	[sflag:s17] =	ssyncset.done $0x0  }
0x57: {  	s22 =	sadd.s32 $0xA0, s19;
	[sflag:s17] =	ssyncadd.s32 $0xFFFFD800  }
0x58: {  	[tilespmem:s14], [sflag:$0x1] =	stream.indirect.gather [hbm4b:s1+s13], $0x80, s22, s13, $0xb8;
	[tilespmem:$0x1F000] =	vst v63  }
0x59: {  	s22 =	sadd.s32 $0x80, s21  }
0x5a: {  	[spmem:s3] =	stream.indirect.scatter.add.f32 [tilespmem:s16], [sflag:$0x3], $0x80, s22, s13, $0xb8;
	[tilespmem:$0x1F000] =	vst v63  }
0x5b: {  	_ =	swait.ge [sflag:s12], $0x2800  }
0x5c: {  	[sflag:s12] =	ssyncset.done $0x0  }
0x5d: {  	[sflag:s12] =	ssyncadd.s32 $0xFFFFD800  }
0x5e: {  	_ =	swait.ge [sflag:s15], $0x2800  }
0x5f: {  	[sflag:s15] =	ssyncset.done $0x0  }
0x60: {  	s22 =	sadd.s32 $0xF0, s19;
	[sflag:s15] =	ssyncadd.s32 $0xFFFFD800  }
0x61: {  	[tilespmem:s16], [sflag:$0x2] =	stream.indirect.gather [hbm4b:s1+s13], $0x80, s22, s13, $0xb8;
	[tilespmem:$0x1F000] =	vst v63  }
0x62: {  	s22 =	sadd.s32 $0x100, s21  }
0x63: {  	[spmem:s3] =	stream.indirect.scatter.add.f32 [tilespmem:s14], [sflag:$0x3], $0x80, s22, s13, $0xb8;
	[tilespmem:$0x1F000] =	vst v63  }
0x64: {  	_ =	swait.ge [sflag:s12], $0x2800  }
0x65: {  	[sflag:s12] =	ssyncset.done $0x0  }
0x66: {  	[sflag:s12] =	ssyncadd.s32 $0xFFFFD800  }
0x67: {  	_ =	swait.ge [sflag:s17], $0x2800  }
0x68: {  	[sflag:s17] =	ssyncset.done $0x0  }
0x69: {  	s22 =	sadd.s32 $0x140, s19;
	[sflag:s17] =	ssyncadd.s32 $0xFFFFD800  }
0x6a: {  	[tilespmem:s14], [sflag:$0x1] =	stream.indirect.gather [hbm4b:s1+s13], $0x80, s22, s13, $0xb8;
	[tilespmem:$0x1F000] =	vst v63  }
0x6b: {  	s22 =	sadd.s32 $0x180, s21  }
0x6c: {  	[spmem:s3] =	stream.indirect.scatter.add.f32 [tilespmem:s16], [sflag:$0x3], $0x80, s22, s13, $0xb8;
	[tilespmem:$0x1F000] =	vst v63  }
0x6d: {  	_ =	swait.ge [sflag:s12], $0x2800  }
0x6e: {  	[sflag:s12] =	ssyncset.done $0x0  }
0x6f: {  	[sflag:s12] =	ssyncadd.s32 $0xFFFFD800  }
0x70: {  	_ =	swait.ge [sflag:s15], $0x2800  }
.Ltmp0:
0x71: {  	[sflag:s15] =	ssyncset.done $0x0;
	(pc) =	sbr.rel @p1 .LBB2_2-.Ltmp0, $4  }
0x72: {  	s21 =	sadd.s32 $0x200, s21;
	[sflag:s15] =	ssyncadd.s32 $0xFFFFD800  }
0x73: {  	[spmem:s3] =	stream.indirect.scatter.add.f32 [tilespmem:s14], [sflag:$0x3], $0x80, s21, s13, $0xb8;
	[tilespmem:$0x1F000] =	vst v63  }
0x74: {  	_ =	swait.ge [sflag:s12], $0x2800  }
0x75: {  	[sflag:s12] =	ssyncset.done $0x0  }
0x76: {  	s18 =	sadd.s32 $0x1, s18  }
0x77: {  	[sflag:s12] =	ssyncadd.s32 $0xFFFFD800;
	p1 =	sne.s32 s18, s9  }
.Ltmp1:
0x78: {  	s19 =	simm.s32 @!p0 $0x3;
	[bflag:$0x0] =	sbarrier.arrive $0xFFFF;
	(pc) =	sbr.rel @p1 .LBB2_1-.Ltmp1, $4  }
0x79: {  	[hbm:s8], [sflag:s10] =	dma.local @!p0 [spmem:s11], $0x3E80  }
0x7a: {  	_ =	swait.ge @!p0 [sflag:s19], $0x3E80  }
0x7b: {  	[sflag:s19] =	ssyncset.done @!p0 $0x0  }
0x7c: {  	[sflag:s19] =	ssyncadd.s32 @!p0 $0xFFFFC180  }
0x7d: {  	_ =	sfence.sel $0x180000  }
0x7e: {  	[bflag:$0x0] =	sbarrier.arrive $0xFFFF  }
0x7f: {  	p0 =	sne.s32 s0, $0x0;
	_ =	strace $0x9000004A  }
0x80: {  	s0 =	sadd.s32 @!p0 $0x100000, s2;
	[bflag:$0x2] =	sbarrier.arrive $0xFFFF  }
0x81: {  	[sflag:s0] =	ssyncadd.tile.s32 @!p0 $0x1;
	_ =	shalt  }
.Lfunc_end2:
_tile_overlayer_lowered:
.L_overlay_start_2:
0x82: {  	(tag) =	ssettag $0x2  }
0x83: {  	s0 =	rddreg [dreg:$0x0];
	s2 =	stileid.u32  }
0x84: {  	s1 =	rddreg [dreg:$0x1];
	p0 =	sne.s32 s2, $0x0  }
0x85: {  	s3 =	rddreg [dreg:$0x2];
	[bflag:$0x3] =	sbarrier.arrive $0xFFFF;
	s2 =	simm.s32 @!p0 $0x1C03  }
0x86: {  	[timem:s3], [sflag:s2] =	dma.local @!p0 [hbm:s0], s1  }
0x87: {  	s0 =	simm.s32 @!p0 $0x3  }
0x88: {  	_ =	swait.ge @!p0 [sflag:s0], s1  }
0x89: {  	s1 =	ssub.s32 @!p0 $0x0, s1;
	[sflag:s0] =	ssyncset.done @!p0 $0x0  }
0x8a: {  	[sflag:s0] =	ssyncadd.s32 @!p0 s1  }
0x8b: {  	[bflag:$0x3] =	sbarrier.arrive $0xFFFF  }
0x8c: {  	_ =	shalt  }

</sc_bundles>
